<compile_context>
chip_gen: v7x
topology: tpu7x:2x2x1
jax: 0.10.2.dev20260603
libtpu: 0.0.44.dev20260713+nightly
codegen_flags: <defaults>
</compile_context>

<pallas_src>
import functools

import jax
import jax.numpy as jnp
from jax import lax
from jax.experimental import pallas as pl
from jax.experimental.pallas import tpu as pltpu
from jax.experimental.pallas import tpu_sc as plsc

N = 320000
D = 128
S = 10000
NC, NS = 2, 16
NW = NC * NS
ROWS_PER_W = N // NW
B = 80
CHUNKS = ROWS_PER_W // B
S_PAD = 10240
SEG_PER_TILE = S_PAD // NS
L = 16


def _sc_body(fine_hbm, ids_hbm,
             sum_out, cnt_out,
             idxs, buf0, buf1, buf2, cnt_v,
             sem_l0, sem_l1, sem_l2,
             sem_s0, sem_s1, sem_s2, acc_s):
    c = lax.axis_index("c")
    s = lax.axis_index("s")
    w = c * NS + s
    bufs = (buf0, buf1, buf2)
    sem_l = (sem_l0, sem_l1, sem_l2)
    sem_s = (sem_s0, sem_s1, sem_s2)

    def zero_buf(i, carry):
        buf0[i // (D // L), pl.ds((i % (D // L)) * L, L)] = jnp.zeros((L,), jnp.float32)
        return carry

    lax.fori_loop(0, B * D // L, zero_buf, 0)

    for q in range(SEG_PER_TILE // B):
        pltpu.async_copy(buf0, acc_s.at[pl.ds(s * SEG_PER_TILE + q * B, B), :],
                         sem_s0)

    def zero_cnt(j, carry):
        cnt_v[pl.ds(j * L, L)] = jnp.zeros((L,), jnp.float32)
        return carry

    lax.fori_loop(0, S_PAD // L, zero_cnt, 0)

    for q in range(SEG_PER_TILE // B):
        pltpu.make_async_copy(buf0, acc_s.at[pl.ds(s * SEG_PER_TILE + q * B, B), :],
                              sem_s0).wait()
    plsc.subcore_barrier()

    ones = jnp.ones((L,), jnp.float32)

    def row_slice(g):
        return fine_hbm.at[pl.ds(w * ROWS_PER_W + g * B, B), :]

    def id_slice(g):
        return ids_hbm.at[pl.ds(w * ROWS_PER_W + g * B, B)]

    def fire_loads(g, b):
        pltpu.async_copy(row_slice(g), bufs[b], sem_l[b])
        pltpu.async_copy(id_slice(g), idxs.at[b], sem_l[b])

    def wait_loads(g, b):
        pltpu.make_async_copy(row_slice(g), bufs[b], sem_l[b]).wait()
        pltpu.make_async_copy(id_slice(g), idxs.at[b], sem_l[b]).wait()

    def counts(b):
        for j in range(B // L):
            plsc.addupdate_scatter(cnt_v, [idxs[b, pl.ds(j * L, L)]], ones)

    def stage(g, b):
        bp = (b + 2) % 3
        wait_loads(g, b)
        pltpu.async_copy(bufs[b], acc_s.at[idxs.at[b]], sem_s[b], add=True)
        counts(b)
        pltpu.make_async_copy(bufs[bp], acc_s.at[idxs.at[bp]], sem_s[bp]).wait()
        fire_loads(g + 2, bp)

    fire_loads(0, 0)
    fire_loads(1, 1)
    wait_loads(0, 0)
    pltpu.async_copy(buf0, acc_s.at[idxs.at[0]], sem_s0, add=True)
    counts(0)
    fire_loads(2, 2)

    def body(k, carry):
        g0 = 3 * k + 1
        stage(g0, 1)
        stage(g0 + 1, 2)
        stage(g0 + 2, 0)
        return carry

    lax.fori_loop(0, (CHUNKS - 5) // 3, body, 0)

    stage(CHUNKS - 4, 1)
    stage(CHUNKS - 3, 2)

    g = CHUNKS - 2
    wait_loads(g, 0)
    pltpu.async_copy(buf0, acc_s.at[idxs.at[0]], sem_s0, add=True)
    counts(0)
    pltpu.make_async_copy(buf2, acc_s.at[idxs.at[2]], sem_s2).wait()
    g = CHUNKS - 1
    wait_loads(g, 1)
    pltpu.async_copy(buf1, acc_s.at[idxs.at[1]], sem_s1, add=True)
    counts(1)
    pltpu.make_async_copy(buf0, acc_s.at[idxs.at[0]], sem_s0).wait()
    pltpu.make_async_copy(buf1, acc_s.at[idxs.at[1]], sem_s1).wait()

    pltpu.async_copy(cnt_v, cnt_out.at[w], sem_l0)
    plsc.subcore_barrier()
    pltpu.sync_copy(acc_s.at[pl.ds(s * SEG_PER_TILE, SEG_PER_TILE), :],
                    sum_out.at[c, pl.ds(s * SEG_PER_TILE, SEG_PER_TILE), :])
    pltpu.make_async_copy(cnt_v, cnt_out.at[w], sem_l0).wait()


_sc_segment_sums = functools.partial(
    pl.kernel,
    out_type=(
        jax.ShapeDtypeStruct((NC, S_PAD, D), jnp.float32),
        jax.ShapeDtypeStruct((NW, S_PAD), jnp.float32),
    ),
    mesh=plsc.VectorSubcoreMesh(
        core_axis_name="c", subcore_axis_name="s", num_cores=NC, num_subcores=NS
    ),
    compiler_params=pltpu.CompilerParams(needs_layout_passes=False),
    scratch_types=[
        pltpu.VMEM((3, B), jnp.int32),
        pltpu.VMEM((B, D), jnp.float32),
        pltpu.VMEM((B, D), jnp.float32),
        pltpu.VMEM((B, D), jnp.float32),
        pltpu.VMEM((S_PAD,), jnp.float32),
        pltpu.SemaphoreType.DMA,
        pltpu.SemaphoreType.DMA,
        pltpu.SemaphoreType.DMA,
        pltpu.SemaphoreType.DMA,
        pltpu.SemaphoreType.DMA,
        pltpu.SemaphoreType.DMA,
        pltpu.VMEM_SHARED((S_PAD, D), jnp.float32),
    ],
)(_sc_body)


def _combine_body(sum_ref, cnt_ref, out_ref):
    total = sum_ref[0, :S, :] + sum_ref[1, :S, :]
    cnt = jnp.sum(cnt_ref[:, :S], axis=0)[:, None]
    out_ref[...] = jnp.where(cnt > 0, total / jnp.maximum(cnt, 1.0),
                             jnp.zeros_like(total))


_COMBINE_BS = 2048


def _combine(sums, cnts):
    return pl.pallas_call(
        _combine_body,
        out_shape=jax.ShapeDtypeStruct((S, D), jnp.float32),
    )(sums, cnts)


def kernel(fine_scale_h_d, prolongation_map_fine_to_coarse):
    sums, cnts = _sc_segment_sums(fine_scale_h_d, prolongation_map_fine_to_coarse)
    return _combine(sums, cnts)

# --- scband reference (transcript-rebuilt; emitter-appended) ---
"""Pipeline reference for scband-mean-pool-downsample-21114059227744 (READ-ONLY COPY).

The authoritative reference and input builder live on the scoring server;
editing this copy changes nothing except your own understanding.
"""

import jax, jax.numpy as jnp
import numpy as np

TARGET_NUM_SEGMENTS = 10000

def setup_inputs(seed: int = 0) -> dict:
    key = jax.random.key(seed)
    k1, k2 = jax.random.split(key)
    fine_scale_h_d = jax.random.normal(k1, (320000, 128), dtype=jnp.float32)
    prolongation_map_fine_to_coarse = jax.random.randint(k2, (320000,), 0, 10000, dtype=jnp.int32)
    return {
        "fine_scale_h_d": fine_scale_h_d,
        "prolongation_map_fine_to_coarse": prolongation_map_fine_to_coarse,
    }

def reference(fine_scale_h_d, prolongation_map_fine_to_coarse):
    # Faithful translation of MeanPoolDownsample.call (non-empty branch):
    # sort by segment id, gather, then segment mean over TARGET_NUM_SEGMENTS segments.
    sorted_indices = jnp.argsort(prolongation_map_fine_to_coarse)
    sorted_fine = jnp.take(fine_scale_h_d, sorted_indices, axis=0)
    sorted_seg = jnp.take(prolongation_map_fine_to_coarse, sorted_indices, axis=0)
    seg_sum = jax.ops.segment_sum(sorted_fine, sorted_seg, num_segments=TARGET_NUM_SEGMENTS)
    counts = jax.ops.segment_sum(
        jnp.ones((sorted_fine.shape[0],), dtype=sorted_fine.dtype),
        sorted_seg,
        num_segments=TARGET_NUM_SEGMENTS,
    )
    counts = counts[:, None]
    out = jnp.where(counts > 0, seg_sum / jnp.maximum(counts, 1.0), jnp.zeros_like(seg_sum))
    return out

if __name__ == "__main__":
    import jax
    _d = setup_inputs()
    print(jax.jit(kernel)(*tuple(_d.values())))

</pallas_src>

<mosaic_0001>
#map = affine_map<(d0, d1) -> (0, 0)>
#map1 = affine_map<(d0, d1) -> (0)>
#map2 = affine_map<(d0, d1) -> (0, 0, 0)>
module attributes {stable_mosaic.version = 14 : i64} {
  func.func @_sc_body(%arg0: i32, %arg1: i32, %arg2: memref<320000x128xf32, #tpu.memory_space<hbm>>, %arg3: memref<320000xi32, #tpu.memory_space<hbm>>, %arg4: memref<2x10240x128xf32, #tpu.memory_space<hbm>>, %arg5: memref<32x10240xf32, #tpu.memory_space<hbm>>, %arg6: memref<3x80xi32, #tpu.memory_space<vmem>>, %arg7: memref<80x128xf32, #tpu.memory_space<vmem>>, %arg8: memref<80x128xf32, #tpu.memory_space<vmem>>, %arg9: memref<80x128xf32, #tpu.memory_space<vmem>>, %arg10: memref<10240xf32, #tpu.memory_space<vmem>>, %arg11: memref<!tpu.dma_semaphore, #tpu.memory_space<semaphore_mem>>, %arg12: memref<!tpu.dma_semaphore, #tpu.memory_space<semaphore_mem>>, %arg13: memref<!tpu.dma_semaphore, #tpu.memory_space<semaphore_mem>>, %arg14: memref<!tpu.dma_semaphore, #tpu.memory_space<semaphore_mem>>, %arg15: memref<!tpu.dma_semaphore, #tpu.memory_space<semaphore_mem>>, %arg16: memref<!tpu.dma_semaphore, #tpu.memory_space<semaphore_mem>>, %arg17: memref<10240x128xf32, #tpu.memory_space<vmem_shared>>) attributes {dimension_semantics = [#tpu.dimension_semantics<core_parallel>, #tpu.dimension_semantics<subcore_parallel>], iteration_bounds = array<i64: 2, 16>, scalar_prefetch = 0 : i64, scratch_operands = 12 : i64, tpu.core_type = #tpu.core_type<sc_vector_subcore>, window_params = [{transform_indices = #map}, {transform_indices = #map1}, {transform_indices = #map2}, {transform_indices = #map}]} {
    %mul3A = arith.constant 16 : i32
    %mul3A_0 = arith.muli %arg0, %mul3A : i32
    %add3A = arith.addi %mul3A_0, %arg1 : i32
    %scan3A = arith.constant 0 : i32
    %scan3A_1 = arith.constant 0 : i32
    %scan3A_2 = arith.constant 640 : i32
    %scan3A_3 = arith.addi %scan3A_1, %scan3A_2 : i32
    %scan3A_4 = arith.constant 1 : i32
    scf.for %scan3A_541 = %scan3A_1 to %scan3A_3 step %scan3A_4  : i32 {
      %broadcast_in_dim3A_542 = arith.constant 0.000000e+00 : f32
      %broadcast_in_dim3A_543 = vector.broadcast %broadcast_in_dim3A_542 : f32 to vector<16xf32>
      %jit3A = arith.constant 8 : i32
      %div3A = arith.divsi %scan3A_541, %jit3A : i32
      %sign3A = arith.constant 0 : i32
      %sign3A_544 = arith.cmpi sgt, %scan3A_541, %sign3A : i32
      %sign3A_545 = arith.extui %sign3A_544 : i1 to i32
      %sign3A_546 = arith.constant 0 : i32
      %sign3A_547 = arith.cmpi slt, %scan3A_541, %sign3A_546 : i32
      %sign3A_548 = arith.extui %sign3A_547 : i1 to i32
      %sign3A_549 = arith.subi %sign3A_545, %sign3A_548 : i32
      %sign3A_550 = arith.constant 0 : i32
      %sign3A_551 = arith.cmpi sgt, %jit3A, %sign3A_550 : i32
      %sign3A_552 = arith.extui %sign3A_551 : i1 to i32
      %sign3A_553 = arith.constant 0 : i32
      %sign3A_554 = arith.cmpi slt, %jit3A, %sign3A_553 : i32
      %sign3A_555 = arith.extui %sign3A_554 : i1 to i32
      %sign3A_556 = arith.subi %sign3A_552, %sign3A_555 : i32
      %ne3A = arith.cmpi ne, %sign3A_549, %sign3A_556 : i32
      %rem3A = arith.remsi %scan3A_541, %jit3A : i32
      %ne3A_557 = arith.constant 0 : i32
      %ne3A_558 = arith.cmpi ne, %rem3A, %ne3A_557 : i32
      %and3A = arith.andi %ne3A, %ne3A_558 : i1
      %sub3A = arith.constant 1 : i32
      %sub3A_559 = arith.subi %div3A, %sub3A : i32
      %select_n3A = arith.select %and3A, %sub3A_559, %div3A : i32
      %jit3A_560 = arith.constant 8 : i32
      %eq3A = arith.constant 0 : i32
      %eq3A_561 = arith.cmpi eq, %jit3A_560, %eq3A : i32
      %jit3A_562 = arith.constant 1 : i32
      %select_n3A_563 = arith.select %eq3A_561, %jit3A_562, %jit3A_560 : i32
      %rem3A_564 = arith.remsi %scan3A_541, %select_n3A_563 : i32
      %ne3A_565 = arith.constant 0 : i32
      %ne3A_566 = arith.cmpi ne, %rem3A_564, %ne3A_565 : i32
      %lt3A = arith.constant 0 : i32
      %lt3A_567 = arith.cmpi slt, %rem3A_564, %lt3A : i32
      %lt3A_568 = arith.constant 0 : i32
      %lt3A_569 = arith.cmpi slt, %select_n3A_563, %lt3A_568 : i32
      %ne3A_570 = arith.xori %lt3A_567, %lt3A_569 : i1
      %and3A_571 = arith.andi %ne3A_570, %ne3A_566 : i1
      %add3A_572 = arith.addi %rem3A_564, %select_n3A_563 : i32
      %select_n3A_573 = arith.select %and3A_571, %add3A_572, %rem3A_564 : i32
      %mul3A_574 = arith.constant 16 : i32
      %mul3A_575 = arith.muli %select_n3A_573, %mul3A_574 : i32
      %swap3A = arith.index_cast %select_n3A : i32 to index
      %swap3A_576 = arith.index_cast %mul3A_575 : i32 to index
      %swap3A_577 = tpu.vector_load %arg7[%swap3A, %swap3A_576] {strides = array<i32>} : memref<80x128xf32, #tpu.memory_space<vmem>>, vector<16xf32>,
      tpu.vector_store %arg7[%swap3A, %swap3A_576], %broadcast_in_dim3A_543 {strides = array<i32>} : memref<80x128xf32, #tpu.memory_space<vmem>>, vector<16xf32>,
    }
    %scan3A_5 = arith.constant 640 : i32
    %mul3A_6 = arith.constant 640 : i32
    %mul3A_7 = arith.muli %arg1, %mul3A_6 : i32
    %add3A_8 = arith.constant 0 : i32
    %add3A_9 = arith.addi %mul3A_7, %add3A_8 : i32
    %dma_start3A = arith.constant 0 : i32
    %dma_start3A_10 = tpu.memref_slice %arg17[%add3A_9, %dma_start3A] : memref<10240x128xf32, #tpu.memory_space<vmem_shared>> -> memref<80x128xf32, #tpu.memory_space<vmem_shared>>
    %dma_start3A_11 = arith.constant 0 : i32
    %dma_start3A_12 = tpu.memref_slice %arg17[%add3A_9, %dma_start3A_11] : memref<10240x128xf32, #tpu.memory_space<vmem_shared>> -> memref<80x128xf32, #tpu.memory_space<vmem_shared>>
    tpu.enqueue_dma source(%arg7 : memref<80x128xf32, #tpu.memory_space<vmem>>) target(%dma_start3A_12 : memref<80x128xf32, #tpu.memory_space<vmem_shared>>) target_semaphore(%arg14 : memref<!tpu.dma_semaphore, #tpu.memory_space<semaphore_mem>>)
    %mul3A_13 = arith.constant 640 : i32
    %mul3A_14 = arith.muli %arg1, %mul3A_13 : i32
    %add3A_15 = arith.constant 80 : i32
    %add3A_16 = arith.addi %mul3A_14, %add3A_15 : i32
    %dma_start3A_17 = arith.constant 0 : i32
    %dma_start3A_18 = tpu.memref_slice %arg17[%add3A_16, %dma_start3A_17] : memref<10240x128xf32, #tpu.memory_space<vmem_shared>> -> memref<80x128xf32, #tpu.memory_space<vmem_shared>>
    %dma_start3A_19 = arith.constant 0 : i32
    %dma_start3A_20 = tpu.memref_slice %arg17[%add3A_16, %dma_start3A_19] : memref<10240x128xf32, #tpu.memory_space<vmem_shared>> -> memref<80x128xf32, #tpu.memory_space<vmem_shared>>
    tpu.enqueue_dma source(%arg7 : memref<80x128xf32, #tpu.memory_space<vmem>>) target(%dma_start3A_20 : memref<80x128xf32, #tpu.memory_space<vmem_shared>>) target_semaphore(%arg14 : memref<!tpu.dma_semaphore, #tpu.memory_space<semaphore_mem>>)
    %mul3A_21 = arith.constant 640 : i32
    %mul3A_22 = arith.muli %arg1, %mul3A_21 : i32
    %add3A_23 = arith.constant 160 : i32
    %add3A_24 = arith.addi %mul3A_22, %add3A_23 : i32
    %dma_start3A_25 = arith.constant 0 : i32
    %dma_start3A_26 = tpu.memref_slice %arg17[%add3A_24, %dma_start3A_25] : memref<10240x128xf32, #tpu.memory_space<vmem_shared>> -> memref<80x128xf32, #tpu.memory_space<vmem_shared>>
    %dma_start3A_27 = arith.constant 0 : i32
    %dma_start3A_28 = tpu.memref_slice %arg17[%add3A_24, %dma_start3A_27] : memref<10240x128xf32, #tpu.memory_space<vmem_shared>> -> memref<80x128xf32, #tpu.memory_space<vmem_shared>>
    tpu.enqueue_dma source(%arg7 : memref<80x128xf32, #tpu.memory_space<vmem>>) target(%dma_start3A_28 : memref<80x128xf32, #tpu.memory_space<vmem_shared>>) target_semaphore(%arg14 : memref<!tpu.dma_semaphore, #tpu.memory_space<semaphore_mem>>)
    %mul3A_29 = arith.constant 640 : i32
    %mul3A_30 = arith.muli %arg1, %mul3A_29 : i32
    %add3A_31 = arith.constant 240 : i32
    %add3A_32 = arith.addi %mul3A_30, %add3A_31 : i32
    %dma_start3A_33 = arith.constant 0 : i32
    %dma_start3A_34 = tpu.memref_slice %arg17[%add3A_32, %dma_start3A_33] : memref<10240x128xf32, #tpu.memory_space<vmem_shared>> -> memref<80x128xf32, #tpu.memory_space<vmem_shared>>
    %dma_start3A_35 = arith.constant 0 : i32
    %dma_start3A_36 = tpu.memref_slice %arg17[%add3A_32, %dma_start3A_35] : memref<10240x128xf32, #tpu.memory_space<vmem_shared>> -> memref<80x128xf32, #tpu.memory_space<vmem_shared>>
    tpu.enqueue_dma source(%arg7 : memref<80x128xf32, #tpu.memory_space<vmem>>) target(%dma_start3A_36 : memref<80x128xf32, #tpu.memory_space<vmem_shared>>) target_semaphore(%arg14 : memref<!tpu.dma_semaphore, #tpu.memory_space<semaphore_mem>>)
    %mul3A_37 = arith.constant 640 : i32
    %mul3A_38 = arith.muli %arg1, %mul3A_37 : i32
    %add3A_39 = arith.constant 320 : i32
    %add3A_40 = arith.addi %mul3A_38, %add3A_39 : i32
    %dma_start3A_41 = arith.constant 0 : i32
    %dma_start3A_42 = tpu.memref_slice %arg17[%add3A_40, %dma_start3A_41] : memref<10240x128xf32, #tpu.memory_space<vmem_shared>> -> memref<80x128xf32, #tpu.memory_space<vmem_shared>>
    %dma_start3A_43 = arith.constant 0 : i32
    %dma_start3A_44 = tpu.memref_slice %arg17[%add3A_40, %dma_start3A_43] : memref<10240x128xf32, #tpu.memory_space<vmem_shared>> -> memref<80x128xf32, #tpu.memory_space<vmem_shared>>
    tpu.enqueue_dma source(%arg7 : memref<80x128xf32, #tpu.memory_space<vmem>>) target(%dma_start3A_44 : memref<80x128xf32, #tpu.memory_space<vmem_shared>>) target_semaphore(%arg14 : memref<!tpu.dma_semaphore, #tpu.memory_space<semaphore_mem>>)
    %mul3A_45 = arith.constant 640 : i32
    %mul3A_46 = arith.muli %arg1, %mul3A_45 : i32
    %add3A_47 = arith.constant 400 : i32
    %add3A_48 = arith.addi %mul3A_46, %add3A_47 : i32
    %dma_start3A_49 = arith.constant 0 : i32
    %dma_start3A_50 = tpu.memref_slice %arg17[%add3A_48, %dma_start3A_49] : memref<10240x128xf32, #tpu.memory_space<vmem_shared>> -> memref<80x128xf32, #tpu.memory_space<vmem_shared>>
    %dma_start3A_51 = arith.constant 0 : i32
    %dma_start3A_52 = tpu.memref_slice %arg17[%add3A_48, %dma_start3A_51] : memref<10240x128xf32, #tpu.memory_space<vmem_shared>> -> memref<80x128xf32, #tpu.memory_space<vmem_shared>>
    tpu.enqueue_dma source(%arg7 : memref<80x128xf32, #tpu.memory_space<vmem>>) target(%dma_start3A_52 : memref<80x128xf32, #tpu.memory_space<vmem_shared>>) target_semaphore(%arg14 : memref<!tpu.dma_semaphore, #tpu.memory_space<semaphore_mem>>)
    %mul3A_53 = arith.constant 640 : i32
    %mul3A_54 = arith.muli %arg1, %mul3A_53 : i32
    %add3A_55 = arith.constant 480 : i32
    %add3A_56 = arith.addi %mul3A_54, %add3A_55 : i32
    %dma_start3A_57 = arith.constant 0 : i32
    %dma_start3A_58 = tpu.memref_slice %arg17[%add3A_56, %dma_start3A_57] : memref<10240x128xf32, #tpu.memory_space<vmem_shared>> -> memref<80x128xf32, #tpu.memory_space<vmem_shared>>
    %dma_start3A_59 = arith.constant 0 : i32
    %dma_start3A_60 = tpu.memref_slice %arg17[%add3A_56, %dma_start3A_59] : memref<10240x128xf32, #tpu.memory_space<vmem_shared>> -> memref<80x128xf32, #tpu.memory_space<vmem_shared>>
    tpu.enqueue_dma source(%arg7 : memref<80x128xf32, #tpu.memory_space<vmem>>) target(%dma_start3A_60 : memref<80x128xf32, #tpu.memory_space<vmem_shared>>) target_semaphore(%arg14 : memref<!tpu.dma_semaphore, #tpu.memory_space<semaphore_mem>>)
    %mul3A_61 = arith.constant 640 : i32
    %mul3A_62 = arith.muli %arg1, %mul3A_61 : i32
    %add3A_63 = arith.constant 560 : i32
    %add3A_64 = arith.addi %mul3A_62, %add3A_63 : i32
    %dma_start3A_65 = arith.constant 0 : i32
    %dma_start3A_66 = tpu.memref_slice %arg17[%add3A_64, %dma_start3A_65] : memref<10240x128xf32, #tpu.memory_space<vmem_shared>> -> memref<80x128xf32, #tpu.memory_space<vmem_shared>>
    %dma_start3A_67 = arith.constant 0 : i32
    %dma_start3A_68 = tpu.memref_slice %arg17[%add3A_64, %dma_start3A_67] : memref<10240x128xf32, #tpu.memory_space<vmem_shared>> -> memref<80x128xf32, #tpu.memory_space<vmem_shared>>
    tpu.enqueue_dma source(%arg7 : memref<80x128xf32, #tpu.memory_space<vmem>>) target(%dma_start3A_68 : memref<80x128xf32, #tpu.memory_space<vmem_shared>>) target_semaphore(%arg14 : memref<!tpu.dma_semaphore, #tpu.memory_space<semaphore_mem>>)
    %scan3A_69 = arith.constant 0 : i32
    %scan3A_70 = arith.constant 0 : i32
    %scan3A_71 = arith.constant 640 : i32
    %scan3A_72 = arith.addi %scan3A_70, %scan3A_71 : i32
    %scan3A_73 = arith.constant 1 : i32
    scf.for %scan3A_541 = %scan3A_70 to %scan3A_72 step %scan3A_73  : i32 {
      %broadcast_in_dim3A_542 = arith.constant 0.000000e+00 : f32
      %broadcast_in_dim3A_543 = vector.broadcast %broadcast_in_dim3A_542 : f32 to vector<16xf32>
      %mul3A_544 = arith.constant 16 : i32
      %mul3A_545 = arith.muli %scan3A_541, %mul3A_544 : i32
      %swap3A = arith.index_cast %mul3A_545 : i32 to index
      %swap3A_546 = tpu.vector_load %arg10[%swap3A] {strides = array<i32>} : memref<10240xf32, #tpu.memory_space<vmem>>, vector<16xf32>,
      tpu.vector_store %arg10[%swap3A], %broadcast_in_dim3A_543 {strides = array<i32>} : memref<10240xf32, #tpu.memory_space<vmem>>, vector<16xf32>,
    }
    %scan3A_74 = arith.constant 640 : i32
    %mul3A_75 = arith.constant 640 : i32
    %mul3A_76 = arith.muli %arg1, %mul3A_75 : i32
    %add3A_77 = arith.constant 0 : i32
    %add3A_78 = arith.addi %mul3A_76, %add3A_77 : i32
    %dma_wait3A = arith.constant 0 : i32
    %dma_wait3A_79 = tpu.memref_slice %arg17[%add3A_78, %dma_wait3A] : memref<10240x128xf32, #tpu.memory_space<vmem_shared>> -> memref<80x128xf32, #tpu.memory_space<vmem_shared>>
    %dma_wait3A_80 = arith.constant 0 : i32
    %dma_wait3A_81 = tpu.memref_slice %arg17[%add3A_78, %dma_wait3A_80] : memref<10240x128xf32, #tpu.memory_space<vmem_shared>> -> memref<80x128xf32, #tpu.memory_space<vmem_shared>>
    tpu.wait_dma2 semaphore(%arg14 : memref<!tpu.dma_semaphore, #tpu.memory_space<semaphore_mem>>) src(%arg7 : memref<80x128xf32, #tpu.memory_space<vmem>>) dst(%dma_wait3A_81 : memref<80x128xf32, #tpu.memory_space<vmem_shared>>)
    %mul3A_82 = arith.constant 640 : i32
    %mul3A_83 = arith.muli %arg1, %mul3A_82 : i32
    %add3A_84 = arith.constant 80 : i32
    %add3A_85 = arith.addi %mul3A_83, %add3A_84 : i32
    %dma_wait3A_86 = arith.constant 0 : i32
    %dma_wait3A_87 = tpu.memref_slice %arg17[%add3A_85, %dma_wait3A_86] : memref<10240x128xf32, #tpu.memory_space<vmem_shared>> -> memref<80x128xf32, #tpu.memory_space<vmem_shared>>
    %dma_wait3A_88 = arith.constant 0 : i32
    %dma_wait3A_89 = tpu.memref_slice %arg17[%add3A_85, %dma_wait3A_88] : memref<10240x128xf32, #tpu.memory_space<vmem_shared>> -> memref<80x128xf32, #tpu.memory_space<vmem_shared>>
    tpu.wait_dma2 semaphore(%arg14 : memref<!tpu.dma_semaphore, #tpu.memory_space<semaphore_mem>>) src(%arg7 : memref<80x128xf32, #tpu.memory_space<vmem>>) dst(%dma_wait3A_89 : memref<80x128xf32, #tpu.memory_space<vmem_shared>>)
    %mul3A_90 = arith.constant 640 : i32
    %mul3A_91 = arith.muli %arg1, %mul3A_90 : i32
    %add3A_92 = arith.constant 160 : i32
    %add3A_93 = arith.addi %mul3A_91, %add3A_92 : i32
    %dma_wait3A_94 = arith.constant 0 : i32
    %dma_wait3A_95 = tpu.memref_slice %arg17[%add3A_93, %dma_wait3A_94] : memref<10240x128xf32, #tpu.memory_space<vmem_shared>> -> memref<80x128xf32, #tpu.memory_space<vmem_shared>>
    %dma_wait3A_96 = arith.constant 0 : i32
    %dma_wait3A_97 = tpu.memref_slice %arg17[%add3A_93, %dma_wait3A_96] : memref<10240x128xf32, #tpu.memory_space<vmem_shared>> -> memref<80x128xf32, #tpu.memory_space<vmem_shared>>
    tpu.wait_dma2 semaphore(%arg14 : memref<!tpu.dma_semaphore, #tpu.memory_space<semaphore_mem>>) src(%arg7 : memref<80x128xf32, #tpu.memory_space<vmem>>) dst(%dma_wait3A_97 : memref<80x128xf32, #tpu.memory_space<vmem_shared>>)
    %mul3A_98 = arith.constant 640 : i32
    %mul3A_99 = arith.muli %arg1, %mul3A_98 : i32
    %add3A_100 = arith.constant 240 : i32
    %add3A_101 = arith.addi %mul3A_99, %add3A_100 : i32
    %dma_wait3A_102 = arith.constant 0 : i32
    %dma_wait3A_103 = tpu.memref_slice %arg17[%add3A_101, %dma_wait3A_102] : memref<10240x128xf32, #tpu.memory_space<vmem_shared>> -> memref<80x128xf32, #tpu.memory_space<vmem_shared>>
    %dma_wait3A_104 = arith.constant 0 : i32
    %dma_wait3A_105 = tpu.memref_slice %arg17[%add3A_101, %dma_wait3A_104] : memref<10240x128xf32, #tpu.memory_space<vmem_shared>> -> memref<80x128xf32, #tpu.memory_space<vmem_shared>>
    tpu.wait_dma2 semaphore(%arg14 : memref<!tpu.dma_semaphore, #tpu.memory_space<semaphore_mem>>) src(%arg7 : memref<80x128xf32, #tpu.memory_space<vmem>>) dst(%dma_wait3A_105 : memref<80x128xf32, #tpu.memory_space<vmem_shared>>)
    %mul3A_106 = arith.constant 640 : i32
    %mul3A_107 = arith.muli %arg1, %mul3A_106 : i32
    %add3A_108 = arith.constant 320 : i32
    %add3A_109 = arith.addi %mul3A_107, %add3A_108 : i32
    %dma_wait3A_110 = arith.constant 0 : i32
    %dma_wait3A_111 = tpu.memref_slice %arg17[%add3A_109, %dma_wait3A_110] : memref<10240x128xf32, #tpu.memory_space<vmem_shared>> -> memref<80x128xf32, #tpu.memory_space<vmem_shared>>
    %dma_wait3A_112 = arith.constant 0 : i32
    %dma_wait3A_113 = tpu.memref_slice %arg17[%add3A_109, %dma_wait3A_112] : memref<10240x128xf32, #tpu.memory_space<vmem_shared>> -> memref<80x128xf32, #tpu.memory_space<vmem_shared>>
    tpu.wait_dma2 semaphore(%arg14 : memref<!tpu.dma_semaphore, #tpu.memory_space<semaphore_mem>>) src(%arg7 : memref<80x128xf32, #tpu.memory_space<vmem>>) dst(%dma_wait3A_113 : memref<80x128xf32, #tpu.memory_space<vmem_shared>>)
    %mul3A_114 = arith.constant 640 : i32
    %mul3A_115 = arith.muli %arg1, %mul3A_114 : i32
    %add3A_116 = arith.constant 400 : i32
    %add3A_117 = arith.addi %mul3A_115, %add3A_116 : i32
    %dma_wait3A_118 = arith.constant 0 : i32
    %dma_wait3A_119 = tpu.memref_slice %arg17[%add3A_117, %dma_wait3A_118] : memref<10240x128xf32, #tpu.memory_space<vmem_shared>> -> memref<80x128xf32, #tpu.memory_space<vmem_shared>>
    %dma_wait3A_120 = arith.constant 0 : i32
    %dma_wait3A_121 = tpu.memref_slice %arg17[%add3A_117, %dma_wait3A_120] : memref<10240x128xf32, #tpu.memory_space<vmem_shared>> -> memref<80x128xf32, #tpu.memory_space<vmem_shared>>
    tpu.wait_dma2 semaphore(%arg14 : memref<!tpu.dma_semaphore, #tpu.memory_space<semaphore_mem>>) src(%arg7 : memref<80x128xf32, #tpu.memory_space<vmem>>) dst(%dma_wait3A_121 : memref<80x128xf32, #tpu.memory_space<vmem_shared>>)
    %mul3A_122 = arith.constant 640 : i32
    %mul3A_123 = arith.muli %arg1, %mul3A_122 : i32
    %add3A_124 = arith.constant 480 : i32
    %add3A_125 = arith.addi %mul3A_123, %add3A_124 : i32
    %dma_wait3A_126 = arith.constant 0 : i32
    %dma_wait3A_127 = tpu.memref_slice %arg17[%add3A_125, %dma_wait3A_126] : memref<10240x128xf32, #tpu.memory_space<vmem_shared>> -> memref<80x128xf32, #tpu.memory_space<vmem_shared>>
    %dma_wait3A_128 = arith.constant 0 : i32
    %dma_wait3A_129 = tpu.memref_slice %arg17[%add3A_125, %dma_wait3A_128] : memref<10240x128xf32, #tpu.memory_space<vmem_shared>> -> memref<80x128xf32, #tpu.memory_space<vmem_shared>>
    tpu.wait_dma2 semaphore(%arg14 : memref<!tpu.dma_semaphore, #tpu.memory_space<semaphore_mem>>) src(%arg7 : memref<80x128xf32, #tpu.memory_space<vmem>>) dst(%dma_wait3A_129 : memref<80x128xf32, #tpu.memory_space<vmem_shared>>)
    %mul3A_130 = arith.constant 640 : i32
    %mul3A_131 = arith.muli %arg1, %mul3A_130 : i32
    %add3A_132 = arith.constant 560 : i32
    %add3A_133 = arith.addi %mul3A_131, %add3A_132 : i32
    %dma_wait3A_134 = arith.constant 0 : i32
    %dma_wait3A_135 = tpu.memref_slice %arg17[%add3A_133, %dma_wait3A_134] : memref<10240x128xf32, #tpu.memory_space<vmem_shared>> -> memref<80x128xf32, #tpu.memory_space<vmem_shared>>
    %dma_wait3A_136 = arith.constant 0 : i32
    %dma_wait3A_137 = tpu.memref_slice %arg17[%add3A_133, %dma_wait3A_136] : memref<10240x128xf32, #tpu.memory_space<vmem_shared>> -> memref<80x128xf32, #tpu.memory_space<vmem_shared>>
    tpu.wait_dma2 semaphore(%arg14 : memref<!tpu.dma_semaphore, #tpu.memory_space<semaphore_mem>>) src(%arg7 : memref<80x128xf32, #tpu.memory_space<vmem>>) dst(%dma_wait3A_137 : memref<80x128xf32, #tpu.memory_space<vmem_shared>>)
    %barrier3A = arith.constant 0 : index
    tpu.barrier barrier_id(%barrier3A)
    %broadcast_in_dim3A = arith.constant 1.000000e+00 : f32
    %broadcast_in_dim3A_138 = vector.broadcast %broadcast_in_dim3A : f32 to vector<16xf32>
    %mul3A_139 = arith.constant 10000 : i32
    %mul3A_140 = arith.muli %add3A, %mul3A_139 : i32
    %add3A_141 = arith.constant 0 : i32
    %add3A_142 = arith.addi %mul3A_140, %add3A_141 : i32
    %dma_start3A_143 = arith.constant 0 : i32
    %dma_start3A_144 = tpu.memref_slice %arg2[%add3A_142, %dma_start3A_143] : memref<320000x128xf32, #tpu.memory_space<hbm>> -> memref<80x128xf32, #tpu.memory_space<hbm>>
    %dma_start3A_145 = arith.constant 0 : i32
    %dma_start3A_146 = tpu.memref_slice %arg2[%add3A_142, %dma_start3A_145] : memref<320000x128xf32, #tpu.memory_space<hbm>> -> memref<80x128xf32, #tpu.memory_space<hbm>>
    tpu.enqueue_dma source(%dma_start3A_146 : memref<80x128xf32, #tpu.memory_space<hbm>>) target(%arg7 : memref<80x128xf32, #tpu.memory_space<vmem>>) target_semaphore(%arg11 : memref<!tpu.dma_semaphore, #tpu.memory_space<semaphore_mem>>)
    %mul3A_147 = arith.constant 10000 : i32
    %mul3A_148 = arith.muli %add3A, %mul3A_147 : i32
    %add3A_149 = arith.constant 0 : i32
    %add3A_150 = arith.addi %mul3A_148, %add3A_149 : i32
    %dma_start3A_151 = arith.constant 0 : i32
    %dma_start3A_152 = arith.constant 0 : i32
    %dma_start3A_153 = tpu.memref_slice %arg6[%dma_start3A_151, %dma_start3A_152] : memref<3x80xi32, #tpu.memory_space<vmem>> -> memref<1x80xi32, #tpu.memory_space<vmem>>
    %dma_start3A_154 = tpu.memref_squeeze %dma_start3A_153 : memref<1x80xi32, #tpu.memory_space<vmem>> -> memref<80xi32, #tpu.memory_space<vmem>>
    %dma_start3A_155 = tpu.memref_slice %arg3[%add3A_150] : memref<320000xi32, #tpu.memory_space<hbm>> -> memref<80xi32, #tpu.memory_space<hbm>>
    %dma_start3A_156 = arith.constant 0 : i32
    %dma_start3A_157 = tpu.memref_slice %arg6[%dma_start3A_151, %dma_start3A_156] : memref<3x80xi32, #tpu.memory_space<vmem>> -> memref<1x80xi32, #tpu.memory_space<vmem>>
    %dma_start3A_158 = tpu.memref_squeeze %dma_start3A_157 : memref<1x80xi32, #tpu.memory_space<vmem>> -> memref<80xi32, #tpu.memory_space<vmem>>
    %dma_start3A_159 = tpu.memref_slice %arg3[%add3A_150] : memref<320000xi32, #tpu.memory_space<hbm>> -> memref<80xi32, #tpu.memory_space<hbm>>
    tpu.enqueue_dma source(%dma_start3A_159 : memref<80xi32, #tpu.memory_space<hbm>>) target(%dma_start3A_158 : memref<80xi32, #tpu.memory_space<vmem>>) target_semaphore(%arg11 : memref<!tpu.dma_semaphore, #tpu.memory_space<semaphore_mem>>)
    %mul3A_160 = arith.constant 10000 : i32
    %mul3A_161 = arith.muli %add3A, %mul3A_160 : i32
    %add3A_162 = arith.constant 80 : i32
    %add3A_163 = arith.addi %mul3A_161, %add3A_162 : i32
    %dma_start3A_164 = arith.constant 0 : i32
    %dma_start3A_165 = tpu.memref_slice %arg2[%add3A_163, %dma_start3A_164] : memref<320000x128xf32, #tpu.memory_space<hbm>> -> memref<80x128xf32, #tpu.memory_space<hbm>>
    %dma_start3A_166 = arith.constant 0 : i32
    %dma_start3A_167 = tpu.memref_slice %arg2[%add3A_163, %dma_start3A_166] : memref<320000x128xf32, #tpu.memory_space<hbm>> -> memref<80x128xf32, #tpu.memory_space<hbm>>
    tpu.enqueue_dma source(%dma_start3A_167 : memref<80x128xf32, #tpu.memory_space<hbm>>) target(%arg8 : memref<80x128xf32, #tpu.memory_space<vmem>>) target_semaphore(%arg12 : memref<!tpu.dma_semaphore, #tpu.memory_space<semaphore_mem>>)
    %mul3A_168 = arith.constant 10000 : i32
    %mul3A_169 = arith.muli %add3A, %mul3A_168 : i32
    %add3A_170 = arith.constant 80 : i32
    %add3A_171 = arith.addi %mul3A_169, %add3A_170 : i32
    %dma_start3A_172 = arith.constant 1 : i32
    %dma_start3A_173 = arith.constant 0 : i32
    %dma_start3A_174 = tpu.memref_slice %arg6[%dma_start3A_172, %dma_start3A_173] : memref<3x80xi32, #tpu.memory_space<vmem>> -> memref<1x80xi32, #tpu.memory_space<vmem>>
    %dma_start3A_175 = tpu.memref_squeeze %dma_start3A_174 : memref<1x80xi32, #tpu.memory_space<vmem>> -> memref<80xi32, #tpu.memory_space<vmem>>
    %dma_start3A_176 = tpu.memref_slice %arg3[%add3A_171] : memref<320000xi32, #tpu.memory_space<hbm>> -> memref<80xi32, #tpu.memory_space<hbm>>
    %dma_start3A_177 = arith.constant 0 : i32
    %dma_start3A_178 = tpu.memref_slice %arg6[%dma_start3A_172, %dma_start3A_177] : memref<3x80xi32, #tpu.memory_space<vmem>> -> memref<1x80xi32, #tpu.memory_space<vmem>>
    %dma_start3A_179 = tpu.memref_squeeze %dma_start3A_178 : memref<1x80xi32, #tpu.memory_space<vmem>> -> memref<80xi32, #tpu.memory_space<vmem>>
    %dma_start3A_180 = tpu.memref_slice %arg3[%add3A_171] : memref<320000xi32, #tpu.memory_space<hbm>> -> memref<80xi32, #tpu.memory_space<hbm>>
    tpu.enqueue_dma source(%dma_start3A_180 : memref<80xi32, #tpu.memory_space<hbm>>) target(%dma_start3A_179 : memref<80xi32, #tpu.memory_space<vmem>>) target_semaphore(%arg12 : memref<!tpu.dma_semaphore, #tpu.memory_space<semaphore_mem>>)
    %mul3A_181 = arith.constant 10000 : i32
    %mul3A_182 = arith.muli %add3A, %mul3A_181 : i32
    %add3A_183 = arith.constant 0 : i32
    %add3A_184 = arith.addi %mul3A_182, %add3A_183 : i32
    %dma_wait3A_185 = arith.constant 0 : i32
    %dma_wait3A_186 = tpu.memref_slice %arg2[%add3A_184, %dma_wait3A_185] : memref<320000x128xf32, #tpu.memory_space<hbm>> -> memref<80x128xf32, #tpu.memory_space<hbm>>
    %dma_wait3A_187 = arith.constant 0 : i32
    %dma_wait3A_188 = tpu.memref_slice %arg2[%add3A_184, %dma_wait3A_187] : memref<320000x128xf32, #tpu.memory_space<hbm>> -> memref<80x128xf32, #tpu.memory_space<hbm>>
    tpu.wait_dma2 semaphore(%arg11 : memref<!tpu.dma_semaphore, #tpu.memory_space<semaphore_mem>>) src(%dma_wait3A_188 : memref<80x128xf32, #tpu.memory_space<hbm>>) dst(%arg7 : memref<80x128xf32, #tpu.memory_space<vmem>>)
    %mul3A_189 = arith.constant 10000 : i32
    %mul3A_190 = arith.muli %add3A, %mul3A_189 : i32
    %add3A_191 = arith.constant 0 : i32
    %add3A_192 = arith.addi %mul3A_190, %add3A_191 : i32
    %dma_wait3A_193 = arith.constant 0 : i32
    %dma_wait3A_194 = arith.constant 0 : i32
    %dma_wait3A_195 = tpu.memref_slice %arg6[%dma_wait3A_193, %dma_wait3A_194] : memref<3x80xi32, #tpu.memory_space<vmem>> -> memref<1x80xi32, #tpu.memory_space<vmem>>
    %dma_wait3A_196 = tpu.memref_squeeze %dma_wait3A_195 : memref<1x80xi32, #tpu.memory_space<vmem>> -> memref<80xi32, #tpu.memory_space<vmem>>
    %dma_wait3A_197 = tpu.memref_slice %arg3[%add3A_192] : memref<320000xi32, #tpu.memory_space<hbm>> -> memref<80xi32, #tpu.memory_space<hbm>>
    %dma_wait3A_198 = arith.constant 0 : i32
    %dma_wait3A_199 = tpu.memref_slice %arg6[%dma_wait3A_193, %dma_wait3A_198] : memref<3x80xi32, #tpu.memory_space<vmem>> -> memref<1x80xi32, #tpu.memory_space<vmem>>
    %dma_wait3A_200 = tpu.memref_squeeze %dma_wait3A_199 : memref<1x80xi32, #tpu.memory_space<vmem>> -> memref<80xi32, #tpu.memory_space<vmem>>
    %dma_wait3A_201 = tpu.memref_slice %arg3[%add3A_192] : memref<320000xi32, #tpu.memory_space<hbm>> -> memref<80xi32, #tpu.memory_space<hbm>>
    tpu.wait_dma2 semaphore(%arg11 : memref<!tpu.dma_semaphore, #tpu.memory_space<semaphore_mem>>) src(%dma_wait3A_201 : memref<80xi32, #tpu.memory_space<hbm>>) dst(%dma_wait3A_200 : memref<80xi32, #tpu.memory_space<vmem>>)
    %dma_start3A_202 = arith.constant 0 : i32
    %dma_start3A_203 = arith.constant 0 : i32
    %dma_start3A_204 = tpu.memref_slice %arg6[%dma_start3A_202, %dma_start3A_203] : memref<3x80xi32, #tpu.memory_space<vmem>> -> memref<1x80xi32, #tpu.memory_space<vmem>>
    %dma_start3A_205 = tpu.memref_squeeze %dma_start3A_204 : memref<1x80xi32, #tpu.memory_space<vmem>> -> memref<80xi32, #tpu.memory_space<vmem>>
    %dma_start3A_206 = arith.constant 0 : i32
    %dma_start3A_207 = arith.constant 0 : i32
    %dma_start3A_208 = tpu.memref_slice %arg17[%dma_start3A_206, %dma_start3A_207] : memref<10240x128xf32, #tpu.memory_space<vmem_shared>> -> memref<10240x128xf32, #tpu.memory_space<vmem_shared>>
    tpu.enqueue_indirect_dma source(%arg7 : memref<80x128xf32, #tpu.memory_space<vmem>>) target(%dma_start3A_208 : memref<10240x128xf32, #tpu.memory_space<vmem_shared>>) offsets(%dma_start3A_205 : memref<80xi32, #tpu.memory_space<vmem>>) semaphore(%arg14 : memref<!tpu.dma_semaphore, #tpu.memory_space<semaphore_mem>>) {add = true}
    %get3A = arith.constant 0 : i32
    %get3A_209 = arith.index_cast %get3A : i32 to index
    %get3A_210 = arith.constant 0 : index
    %get3A_211 = tpu.vector_load %arg6[%get3A_209, %get3A_210] {strides = array<i32>} : memref<3x80xi32, #tpu.memory_space<vmem>>, vector<16xi32>,
    tpu.vector_store_idx %arg10[%get3A_211], %broadcast_in_dim3A_138 {add = true} : memref<10240xf32, #tpu.memory_space<vmem>>[vector<16xi32>], vector<16xf32>,
    %get3A_212 = arith.constant 0 : i32
    %get3A_213 = arith.index_cast %get3A_212 : i32 to index
    %get3A_214 = arith.constant 16 : index
    %get3A_215 = tpu.vector_load %arg6[%get3A_213, %get3A_214] {strides = array<i32>} : memref<3x80xi32, #tpu.memory_space<vmem>>, vector<16xi32>,
    tpu.vector_store_idx %arg10[%get3A_215], %broadcast_in_dim3A_138 {add = true} : memref<10240xf32, #tpu.memory_space<vmem>>[vector<16xi32>], vector<16xf32>,
    %get3A_216 = arith.constant 0 : i32
    %get3A_217 = arith.index_cast %get3A_216 : i32 to index
    %get3A_218 = arith.constant 32 : index
    %get3A_219 = tpu.vector_load %arg6[%get3A_217, %get3A_218] {strides = array<i32>} : memref<3x80xi32, #tpu.memory_space<vmem>>, vector<16xi32>,
    tpu.vector_store_idx %arg10[%get3A_219], %broadcast_in_dim3A_138 {add = true} : memref<10240xf32, #tpu.memory_space<vmem>>[vector<16xi32>], vector<16xf32>,
    %get3A_220 = arith.constant 0 : i32
    %get3A_221 = arith.index_cast %get3A_220 : i32 to index
    %get3A_222 = arith.constant 48 : index
    %get3A_223 = tpu.vector_load %arg6[%get3A_221, %get3A_222] {strides = array<i32>} : memref<3x80xi32, #tpu.memory_space<vmem>>, vector<16xi32>,
    tpu.vector_store_idx %arg10[%get3A_223], %broadcast_in_dim3A_138 {add = true} : memref<10240xf32, #tpu.memory_space<vmem>>[vector<16xi32>], vector<16xf32>,
    %get3A_224 = arith.constant 0 : i32
    %get3A_225 = arith.index_cast %get3A_224 : i32 to index
    %get3A_226 = arith.constant 64 : index
    %get3A_227 = tpu.vector_load %arg6[%get3A_225, %get3A_226] {strides = array<i32>} : memref<3x80xi32, #tpu.memory_space<vmem>>, vector<16xi32>,
    tpu.vector_store_idx %arg10[%get3A_227], %broadcast_in_dim3A_138 {add = true} : memref<10240xf32, #tpu.memory_space<vmem>>[vector<16xi32>], vector<16xf32>,
    %mul3A_228 = arith.constant 10000 : i32
    %mul3A_229 = arith.muli %add3A, %mul3A_228 : i32
    %add3A_230 = arith.constant 160 : i32
    %add3A_231 = arith.addi %mul3A_229, %add3A_230 : i32
    %dma_start3A_232 = arith.constant 0 : i32
    %dma_start3A_233 = tpu.memref_slice %arg2[%add3A_231, %dma_start3A_232] : memref<320000x128xf32, #tpu.memory_space<hbm>> -> memref<80x128xf32, #tpu.memory_space<hbm>>
    %dma_start3A_234 = arith.constant 0 : i32
    %dma_start3A_235 = tpu.memref_slice %arg2[%add3A_231, %dma_start3A_234] : memref<320000x128xf32, #tpu.memory_space<hbm>> -> memref<80x128xf32, #tpu.memory_space<hbm>>
    tpu.enqueue_dma source(%dma_start3A_235 : memref<80x128xf32, #tpu.memory_space<hbm>>) target(%arg9 : memref<80x128xf32, #tpu.memory_space<vmem>>) target_semaphore(%arg13 : memref<!tpu.dma_semaphore, #tpu.memory_space<semaphore_mem>>)
    %mul3A_236 = arith.constant 10000 : i32
    %mul3A_237 = arith.muli %add3A, %mul3A_236 : i32
    %add3A_238 = arith.constant 160 : i32
    %add3A_239 = arith.addi %mul3A_237, %add3A_238 : i32
    %dma_start3A_240 = arith.constant 2 : i32
    %dma_start3A_241 = arith.constant 0 : i32
    %dma_start3A_242 = tpu.memref_slice %arg6[%dma_start3A_240, %dma_start3A_241] : memref<3x80xi32, #tpu.memory_space<vmem>> -> memref<1x80xi32, #tpu.memory_space<vmem>>
    %dma_start3A_243 = tpu.memref_squeeze %dma_start3A_242 : memref<1x80xi32, #tpu.memory_space<vmem>> -> memref<80xi32, #tpu.memory_space<vmem>>
    %dma_start3A_244 = tpu.memref_slice %arg3[%add3A_239] : memref<320000xi32, #tpu.memory_space<hbm>> -> memref<80xi32, #tpu.memory_space<hbm>>
    %dma_start3A_245 = arith.constant 0 : i32
    %dma_start3A_246 = tpu.memref_slice %arg6[%dma_start3A_240, %dma_start3A_245] : memref<3x80xi32, #tpu.memory_space<vmem>> -> memref<1x80xi32, #tpu.memory_space<vmem>>
    %dma_start3A_247 = tpu.memref_squeeze %dma_start3A_246 : memref<1x80xi32, #tpu.memory_space<vmem>> -> memref<80xi32, #tpu.memory_space<vmem>>
    %dma_start3A_248 = tpu.memref_slice %arg3[%add3A_239] : memref<320000xi32, #tpu.memory_space<hbm>> -> memref<80xi32, #tpu.memory_space<hbm>>
    tpu.enqueue_dma source(%dma_start3A_248 : memref<80xi32, #tpu.memory_space<hbm>>) target(%dma_start3A_247 : memref<80xi32, #tpu.memory_space<vmem>>) target_semaphore(%arg13 : memref<!tpu.dma_semaphore, #tpu.memory_space<semaphore_mem>>)
    %scan3A_249 = arith.constant 0 : i32
    %scan3A_250 = arith.constant 0 : i32
    %scan3A_251 = arith.constant 40 : i32
    %scan3A_252 = arith.addi %scan3A_250, %scan3A_251 : i32
    %scan3A_253 = arith.constant 1 : i32
    scf.for %scan3A_541 = %scan3A_250 to %scan3A_252 step %scan3A_253  : i32 {
      %mul3A_542 = arith.constant 3 : i32
      %mul3A_543 = arith.muli %mul3A_542, %scan3A_541 : i32
      %add3A_544 = arith.constant 1 : i32
      %add3A_545 = arith.addi %mul3A_543, %add3A_544 : i32
      %mul3A_546 = arith.constant 10000 : i32
      %mul3A_547 = arith.muli %add3A, %mul3A_546 : i32
      %mul3A_548 = arith.constant 80 : i32
      %mul3A_549 = arith.muli %add3A_545, %mul3A_548 : i32
      %add3A_550 = arith.addi %mul3A_547, %mul3A_549 : i32
      %dma_wait3A_551 = arith.constant 0 : i32
      %dma_wait3A_552 = tpu.memref_slice %arg2[%add3A_550, %dma_wait3A_551] : memref<320000x128xf32, #tpu.memory_space<hbm>> -> memref<80x128xf32, #tpu.memory_space<hbm>>
      %dma_wait3A_553 = arith.constant 0 : i32
      %dma_wait3A_554 = tpu.memref_slice %arg2[%add3A_550, %dma_wait3A_553] : memref<320000x128xf32, #tpu.memory_space<hbm>> -> memref<80x128xf32, #tpu.memory_space<hbm>>
      tpu.wait_dma2 semaphore(%arg12 : memref<!tpu.dma_semaphore, #tpu.memory_space<semaphore_mem>>) src(%dma_wait3A_554 : memref<80x128xf32, #tpu.memory_space<hbm>>) dst(%arg8 : memref<80x128xf32, #tpu.memory_space<vmem>>)
      %mul3A_555 = arith.constant 10000 : i32
      %mul3A_556 = arith.muli %add3A, %mul3A_555 : i32
      %mul3A_557 = arith.constant 80 : i32
      %mul3A_558 = arith.muli %add3A_545, %mul3A_557 : i32
      %add3A_559 = arith.addi %mul3A_556, %mul3A_558 : i32
      %dma_wait3A_560 = arith.constant 1 : i32
      %dma_wait3A_561 = arith.constant 0 : i32
      %dma_wait3A_562 = tpu.memref_slice %arg6[%dma_wait3A_560, %dma_wait3A_561] : memref<3x80xi32, #tpu.memory_space<vmem>> -> memref<1x80xi32, #tpu.memory_space<vmem>>
      %dma_wait3A_563 = tpu.memref_squeeze %dma_wait3A_562 : memref<1x80xi32, #tpu.memory_space<vmem>> -> memref<80xi32, #tpu.memory_space<vmem>>
      %dma_wait3A_564 = tpu.memref_slice %arg3[%add3A_559] : memref<320000xi32, #tpu.memory_space<hbm>> -> memref<80xi32, #tpu.memory_space<hbm>>
      %dma_wait3A_565 = arith.constant 0 : i32
      %dma_wait3A_566 = tpu.memref_slice %arg6[%dma_wait3A_560, %dma_wait3A_565] : memref<3x80xi32, #tpu.memory_space<vmem>> -> memref<1x80xi32, #tpu.memory_space<vmem>>
      %dma_wait3A_567 = tpu.memref_squeeze %dma_wait3A_566 : memref<1x80xi32, #tpu.memory_space<vmem>> -> memref<80xi32, #tpu.memory_space<vmem>>
      %dma_wait3A_568 = tpu.memref_slice %arg3[%add3A_559] : memref<320000xi32, #tpu.memory_space<hbm>> -> memref<80xi32, #tpu.memory_space<hbm>>
      tpu.wait_dma2 semaphore(%arg12 : memref<!tpu.dma_semaphore, #tpu.memory_space<semaphore_mem>>) src(%dma_wait3A_568 : memref<80xi32, #tpu.memory_space<hbm>>) dst(%dma_wait3A_567 : memref<80xi32, #tpu.memory_space<vmem>>)
      %dma_start3A_569 = arith.constant 1 : i32
      %dma_start3A_570 = arith.constant 0 : i32
      %dma_start3A_571 = tpu.memref_slice %arg6[%dma_start3A_569, %dma_start3A_570] : memref<3x80xi32, #tpu.memory_space<vmem>> -> memref<1x80xi32, #tpu.memory_space<vmem>>
      %dma_start3A_572 = tpu.memref_squeeze %dma_start3A_571 : memref<1x80xi32, #tpu.memory_space<vmem>> -> memref<80xi32, #tpu.memory_space<vmem>>
      %dma_start3A_573 = arith.constant 0 : i32
      %dma_start3A_574 = arith.constant 0 : i32
      %dma_start3A_575 = tpu.memref_slice %arg17[%dma_start3A_573, %dma_start3A_574] : memref<10240x128xf32, #tpu.memory_space<vmem_shared>> -> memref<10240x128xf32, #tpu.memory_space<vmem_shared>>
      tpu.enqueue_indirect_dma source(%arg8 : memref<80x128xf32, #tpu.memory_space<vmem>>) target(%dma_start3A_575 : memref<10240x128xf32, #tpu.memory_space<vmem_shared>>) offsets(%dma_start3A_572 : memref<80xi32, #tpu.memory_space<vmem>>) semaphore(%arg15 : memref<!tpu.dma_semaphore, #tpu.memory_space<semaphore_mem>>) {add = true}
      %get3A_576 = arith.constant 1 : i32
      %get3A_577 = arith.index_cast %get3A_576 : i32 to index
      %get3A_578 = arith.constant 0 : index
      %get3A_579 = tpu.vector_load %arg6[%get3A_577, %get3A_578] {strides = array<i32>} : memref<3x80xi32, #tpu.memory_space<vmem>>, vector<16xi32>,
      tpu.vector_store_idx %arg10[%get3A_579], %broadcast_in_dim3A_138 {add = true} : memref<10240xf32, #tpu.memory_space<vmem>>[vector<16xi32>], vector<16xf32>,
      %get3A_580 = arith.constant 1 : i32
      %get3A_581 = arith.index_cast %get3A_580 : i32 to index
      %get3A_582 = arith.constant 16 : index
      %get3A_583 = tpu.vector_load %arg6[%get3A_581, %get3A_582] {strides = array<i32>} : memref<3x80xi32, #tpu.memory_space<vmem>>, vector<16xi32>,
      tpu.vector_store_idx %arg10[%get3A_583], %broadcast_in_dim3A_138 {add = true} : memref<10240xf32, #tpu.memory_space<vmem>>[vector<16xi32>], vector<16xf32>,
      %get3A_584 = arith.constant 1 : i32
      %get3A_585 = arith.index_cast %get3A_584 : i32 to index
      %get3A_586 = arith.constant 32 : index
      %get3A_587 = tpu.vector_load %arg6[%get3A_585, %get3A_586] {strides = array<i32>} : memref<3x80xi32, #tpu.memory_space<vmem>>, vector<16xi32>,
      tpu.vector_store_idx %arg10[%get3A_587], %broadcast_in_dim3A_138 {add = true} : memref<10240xf32, #tpu.memory_space<vmem>>[vector<16xi32>], vector<16xf32>,
      %get3A_588 = arith.constant 1 : i32
      %get3A_589 = arith.index_cast %get3A_588 : i32 to index
      %get3A_590 = arith.constant 48 : index
      %get3A_591 = tpu.vector_load %arg6[%get3A_589, %get3A_590] {strides = array<i32>} : memref<3x80xi32, #tpu.memory_space<vmem>>, vector<16xi32>,
      tpu.vector_store_idx %arg10[%get3A_591], %broadcast_in_dim3A_138 {add = true} : memref<10240xf32, #tpu.memory_space<vmem>>[vector<16xi32>], vector<16xf32>,
      %get3A_592 = arith.constant 1 : i32
      %get3A_593 = arith.index_cast %get3A_592 : i32 to index
      %get3A_594 = arith.constant 64 : index
      %get3A_595 = tpu.vector_load %arg6[%get3A_593, %get3A_594] {strides = array<i32>} : memref<3x80xi32, #tpu.memory_space<vmem>>, vector<16xi32>,
      tpu.vector_store_idx %arg10[%get3A_595], %broadcast_in_dim3A_138 {add = true} : memref<10240xf32, #tpu.memory_space<vmem>>[vector<16xi32>], vector<16xf32>,
      %dma_wait3A_596 = arith.constant 0 : i32
      %dma_wait3A_597 = arith.constant 0 : i32
      %dma_wait3A_598 = tpu.memref_slice %arg6[%dma_wait3A_596, %dma_wait3A_597] : memref<3x80xi32, #tpu.memory_space<vmem>> -> memref<1x80xi32, #tpu.memory_space<vmem>>
      %dma_wait3A_599 = tpu.memref_squeeze %dma_wait3A_598 : memref<1x80xi32, #tpu.memory_space<vmem>> -> memref<80xi32, #tpu.memory_space<vmem>>
      %dma_wait3A_600 = arith.constant 0 : i32
      %dma_wait3A_601 = arith.constant 0 : i32
      %dma_wait3A_602 = tpu.memref_slice %arg17[%dma_wait3A_600, %dma_wait3A_601] : memref<10240x128xf32, #tpu.memory_space<vmem_shared>> -> memref<10240x128xf32, #tpu.memory_space<vmem_shared>>
      tpu.wait_indirect_dma semaphore(%arg14 : memref<!tpu.dma_semaphore, #tpu.memory_space<semaphore_mem>>) src(%arg7 : memref<80x128xf32, #tpu.memory_space<vmem>>) dst(%dma_wait3A_602 : memref<10240x128xf32, #tpu.memory_space<vmem_shared>>)
      %add3A_603 = arith.constant 2 : i32
      %add3A_604 = arith.addi %add3A_545, %add3A_603 : i32
      %mul3A_605 = arith.constant 10000 : i32
      %mul3A_606 = arith.muli %add3A, %mul3A_605 : i32
      %mul3A_607 = arith.constant 80 : i32
      %mul3A_608 = arith.muli %add3A_604, %mul3A_607 : i32
      %add3A_609 = arith.addi %mul3A_606, %mul3A_608 : i32
      %dma_start3A_610 = arith.constant 0 : i32
      %dma_start3A_611 = tpu.memref_slice %arg2[%add3A_609, %dma_start3A_610] : memref<320000x128xf32, #tpu.memory_space<hbm>> -> memref<80x128xf32, #tpu.memory_space<hbm>>
      %dma_start3A_612 = arith.constant 0 : i32
      %dma_start3A_613 = tpu.memref_slice %arg2[%add3A_609, %dma_start3A_612] : memref<320000x128xf32, #tpu.memory_space<hbm>> -> memref<80x128xf32, #tpu.memory_space<hbm>>
      tpu.enqueue_dma source(%dma_start3A_613 : memref<80x128xf32, #tpu.memory_space<hbm>>) target(%arg7 : memref<80x128xf32, #tpu.memory_space<vmem>>) target_semaphore(%arg11 : memref<!tpu.dma_semaphore, #tpu.memory_space<semaphore_mem>>)
      %mul3A_614 = arith.constant 10000 : i32
      %mul3A_615 = arith.muli %add3A, %mul3A_614 : i32
      %mul3A_616 = arith.constant 80 : i32
      %mul3A_617 = arith.muli %add3A_604, %mul3A_616 : i32
      %add3A_618 = arith.addi %mul3A_615, %mul3A_617 : i32
      %dma_start3A_619 = arith.constant 0 : i32
      %dma_start3A_620 = arith.constant 0 : i32
      %dma_start3A_621 = tpu.memref_slice %arg6[%dma_start3A_619, %dma_start3A_620] : memref<3x80xi32, #tpu.memory_space<vmem>> -> memref<1x80xi32, #tpu.memory_space<vmem>>
      %dma_start3A_622 = tpu.memref_squeeze %dma_start3A_621 : memref<1x80xi32, #tpu.memory_space<vmem>> -> memref<80xi32, #tpu.memory_space<vmem>>
      %dma_start3A_623 = tpu.memref_slice %arg3[%add3A_618] : memref<320000xi32, #tpu.memory_space<hbm>> -> memref<80xi32, #tpu.memory_space<hbm>>
      %dma_start3A_624 = arith.constant 0 : i32
      %dma_start3A_625 = tpu.memref_slice %arg6[%dma_start3A_619, %dma_start3A_624] : memref<3x80xi32, #tpu.memory_space<vmem>> -> memref<1x80xi32, #tpu.memory_space<vmem>>
      %dma_start3A_626 = tpu.memref_squeeze %dma_start3A_625 : memref<1x80xi32, #tpu.memory_space<vmem>> -> memref<80xi32, #tpu.memory_space<vmem>>
      %dma_start3A_627 = tpu.memref_slice %arg3[%add3A_618] : memref<320000xi32, #tpu.memory_space<hbm>> -> memref<80xi32, #tpu.memory_space<hbm>>
      tpu.enqueue_dma source(%dma_start3A_627 : memref<80xi32, #tpu.memory_space<hbm>>) target(%dma_start3A_626 : memref<80xi32, #tpu.memory_space<vmem>>) target_semaphore(%arg11 : memref<!tpu.dma_semaphore, #tpu.memory_space<semaphore_mem>>)
      %add3A_628 = arith.constant 1 : i32
      %add3A_629 = arith.addi %add3A_545, %add3A_628 : i32
      %mul3A_630 = arith.constant 10000 : i32
      %mul3A_631 = arith.muli %add3A, %mul3A_630 : i32
      %mul3A_632 = arith.constant 80 : i32
      %mul3A_633 = arith.muli %add3A_629, %mul3A_632 : i32
      %add3A_634 = arith.addi %mul3A_631, %mul3A_633 : i32
      %dma_wait3A_635 = arith.constant 0 : i32
      %dma_wait3A_636 = tpu.memref_slice %arg2[%add3A_634, %dma_wait3A_635] : memref<320000x128xf32, #tpu.memory_space<hbm>> -> memref<80x128xf32, #tpu.memory_space<hbm>>
      %dma_wait3A_637 = arith.constant 0 : i32
      %dma_wait3A_638 = tpu.memref_slice %arg2[%add3A_634, %dma_wait3A_637] : memref<320000x128xf32, #tpu.memory_space<hbm>> -> memref<80x128xf32, #tpu.memory_space<hbm>>
      tpu.wait_dma2 semaphore(%arg13 : memref<!tpu.dma_semaphore, #tpu.memory_space<semaphore_mem>>) src(%dma_wait3A_638 : memref<80x128xf32, #tpu.memory_space<hbm>>) dst(%arg9 : memref<80x128xf32, #tpu.memory_space<vmem>>)
      %mul3A_639 = arith.constant 10000 : i32
      %mul3A_640 = arith.muli %add3A, %mul3A_639 : i32
      %mul3A_641 = arith.constant 80 : i32
      %mul3A_642 = arith.muli %add3A_629, %mul3A_641 : i32
      %add3A_643 = arith.addi %mul3A_640, %mul3A_642 : i32
      %dma_wait3A_644 = arith.constant 2 : i32
      %dma_wait3A_645 = arith.constant 0 : i32
      %dma_wait3A_646 = tpu.memref_slice %arg6[%dma_wait3A_644, %dma_wait3A_645] : memref<3x80xi32, #tpu.memory_space<vmem>> -> memref<1x80xi32, #tpu.memory_space<vmem>>
      %dma_wait3A_647 = tpu.memref_squeeze %dma_wait3A_646 : memref<1x80xi32, #tpu.memory_space<vmem>> -> memref<80xi32, #tpu.memory_space<vmem>>
      %dma_wait3A_648 = tpu.memref_slice %arg3[%add3A_643] : memref<320000xi32, #tpu.memory_space<hbm>> -> memref<80xi32, #tpu.memory_space<hbm>>
      %dma_wait3A_649 = arith.constant 0 : i32
      %dma_wait3A_650 = tpu.memref_slice %arg6[%dma_wait3A_644, %dma_wait3A_649] : memref<3x80xi32, #tpu.memory_space<vmem>> -> memref<1x80xi32, #tpu.memory_space<vmem>>
      %dma_wait3A_651 = tpu.memref_squeeze %dma_wait3A_650 : memref<1x80xi32, #tpu.memory_space<vmem>> -> memref<80xi32, #tpu.memory_space<vmem>>
      %dma_wait3A_652 = tpu.memref_slice %arg3[%add3A_643] : memref<320000xi32, #tpu.memory_space<hbm>> -> memref<80xi32, #tpu.memory_space<hbm>>
      tpu.wait_dma2 semaphore(%arg13 : memref<!tpu.dma_semaphore, #tpu.memory_space<semaphore_mem>>) src(%dma_wait3A_652 : memref<80xi32, #tpu.memory_space<hbm>>) dst(%dma_wait3A_651 : memref<80xi32, #tpu.memory_space<vmem>>)
      %dma_start3A_653 = arith.constant 2 : i32
      %dma_start3A_654 = arith.constant 0 : i32
      %dma_start3A_655 = tpu.memref_slice %arg6[%dma_start3A_653, %dma_start3A_654] : memref<3x80xi32, #tpu.memory_space<vmem>> -> memref<1x80xi32, #tpu.memory_space<vmem>>
      %dma_start3A_656 = tpu.memref_squeeze %dma_start3A_655 : memref<1x80xi32, #tpu.memory_space<vmem>> -> memref<80xi32, #tpu.memory_space<vmem>>
      %dma_start3A_657 = arith.constant 0 : i32
      %dma_start3A_658 = arith.constant 0 : i32
      %dma_start3A_659 = tpu.memref_slice %arg17[%dma_start3A_657, %dma_start3A_658] : memref<10240x128xf32, #tpu.memory_space<vmem_shared>> -> memref<10240x128xf32, #tpu.memory_space<vmem_shared>>
      tpu.enqueue_indirect_dma source(%arg9 : memref<80x128xf32, #tpu.memory_space<vmem>>) target(%dma_start3A_659 : memref<10240x128xf32, #tpu.memory_space<vmem_shared>>) offsets(%dma_start3A_656 : memref<80xi32, #tpu.memory_space<vmem>>) semaphore(%arg16 : memref<!tpu.dma_semaphore, #tpu.memory_space<semaphore_mem>>) {add = true}
      %get3A_660 = arith.constant 2 : i32
      %get3A_661 = arith.index_cast %get3A_660 : i32 to index
      %get3A_662 = arith.constant 0 : index
      %get3A_663 = tpu.vector_load %arg6[%get3A_661, %get3A_662] {strides = array<i32>} : memref<3x80xi32, #tpu.memory_space<vmem>>, vector<16xi32>,
      tpu.vector_store_idx %arg10[%get3A_663], %broadcast_in_dim3A_138 {add = true} : memref<10240xf32, #tpu.memory_space<vmem>>[vector<16xi32>], vector<16xf32>,
      %get3A_664 = arith.constant 2 : i32
      %get3A_665 = arith.index_cast %get3A_664 : i32 to index
      %get3A_666 = arith.constant 16 : index
      %get3A_667 = tpu.vector_load %arg6[%get3A_665, %get3A_666] {strides = array<i32>} : memref<3x80xi32, #tpu.memory_space<vmem>>, vector<16xi32>,
      tpu.vector_store_idx %arg10[%get3A_667], %broadcast_in_dim3A_138 {add = true} : memref<10240xf32, #tpu.memory_space<vmem>>[vector<16xi32>], vector<16xf32>,
      %get3A_668 = arith.constant 2 : i32
      %get3A_669 = arith.index_cast %get3A_668 : i32 to index
      %get3A_670 = arith.constant 32 : index
      %get3A_671 = tpu.vector_load %arg6[%get3A_669, %get3A_670] {strides = array<i32>} : memref<3x80xi32, #tpu.memory_space<vmem>>, vector<16xi32>,
      tpu.vector_store_idx %arg10[%get3A_671], %broadcast_in_dim3A_138 {add = true} : memref<10240xf32, #tpu.memory_space<vmem>>[vector<16xi32>], vector<16xf32>,
      %get3A_672 = arith.constant 2 : i32
      %get3A_673 = arith.index_cast %get3A_672 : i32 to index
      %get3A_674 = arith.constant 48 : index
      %get3A_675 = tpu.vector_load %arg6[%get3A_673, %get3A_674] {strides = array<i32>} : memref<3x80xi32, #tpu.memory_space<vmem>>, vector<16xi32>,
      tpu.vector_store_idx %arg10[%get3A_675], %broadcast_in_dim3A_138 {add = true} : memref<10240xf32, #tpu.memory_space<vmem>>[vector<16xi32>], vector<16xf32>,
      %get3A_676 = arith.constant 2 : i32
      %get3A_677 = arith.index_cast %get3A_676 : i32 to index
      %get3A_678 = arith.constant 64 : index
      %get3A_679 = tpu.vector_load %arg6[%get3A_677, %get3A_678] {strides = array<i32>} : memref<3x80xi32, #tpu.memory_space<vmem>>, vector<16xi32>,
      tpu.vector_store_idx %arg10[%get3A_679], %broadcast_in_dim3A_138 {add = true} : memref<10240xf32, #tpu.memory_space<vmem>>[vector<16xi32>], vector<16xf32>,
      %dma_wait3A_680 = arith.constant 1 : i32
      %dma_wait3A_681 = arith.constant 0 : i32
      %dma_wait3A_682 = tpu.memref_slice %arg6[%dma_wait3A_680, %dma_wait3A_681] : memref<3x80xi32, #tpu.memory_space<vmem>> -> memref<1x80xi32, #tpu.memory_space<vmem>>
      %dma_wait3A_683 = tpu.memref_squeeze %dma_wait3A_682 : memref<1x80xi32, #tpu.memory_space<vmem>> -> memref<80xi32, #tpu.memory_space<vmem>>
      %dma_wait3A_684 = arith.constant 0 : i32
      %dma_wait3A_685 = arith.constant 0 : i32
      %dma_wait3A_686 = tpu.memref_slice %arg17[%dma_wait3A_684, %dma_wait3A_685] : memref<10240x128xf32, #tpu.memory_space<vmem_shared>> -> memref<10240x128xf32, #tpu.memory_space<vmem_shared>>
      tpu.wait_indirect_dma semaphore(%arg15 : memref<!tpu.dma_semaphore, #tpu.memory_space<semaphore_mem>>) src(%arg8 : memref<80x128xf32, #tpu.memory_space<vmem>>) dst(%dma_wait3A_686 : memref<10240x128xf32, #tpu.memory_space<vmem_shared>>)
      %add3A_687 = arith.constant 2 : i32
      %add3A_688 = arith.addi %add3A_629, %add3A_687 : i32
      %mul3A_689 = arith.constant 10000 : i32
      %mul3A_690 = arith.muli %add3A, %mul3A_689 : i32
      %mul3A_691 = arith.constant 80 : i32
      %mul3A_692 = arith.muli %add3A_688, %mul3A_691 : i32
      %add3A_693 = arith.addi %mul3A_690, %mul3A_692 : i32
      %dma_start3A_694 = arith.constant 0 : i32
      %dma_start3A_695 = tpu.memref_slice %arg2[%add3A_693, %dma_start3A_694] : memref<320000x128xf32, #tpu.memory_space<hbm>> -> memref<80x128xf32, #tpu.memory_space<hbm>>
      %dma_start3A_696 = arith.constant 0 : i32
      %dma_start3A_697 = tpu.memref_slice %arg2[%add3A_693, %dma_start3A_696] : memref<320000x128xf32, #tpu.memory_space<hbm>> -> memref<80x128xf32, #tpu.memory_space<hbm>>
      tpu.enqueue_dma source(%dma_start3A_697 : memref<80x128xf32, #tpu.memory_space<hbm>>) target(%arg8 : memref<80x128xf32, #tpu.memory_space<vmem>>) target_semaphore(%arg12 : memref<!tpu.dma_semaphore, #tpu.memory_space<semaphore_mem>>)
      %mul3A_698 = arith.constant 10000 : i32
      %mul3A_699 = arith.muli %add3A, %mul3A_698 : i32
      %mul3A_700 = arith.constant 80 : i32
      %mul3A_701 = arith.muli %add3A_688, %mul3A_700 : i32
      %add3A_702 = arith.addi %mul3A_699, %mul3A_701 : i32
      %dma_start3A_703 = arith.constant 1 : i32
      %dma_start3A_704 = arith.constant 0 : i32
      %dma_start3A_705 = tpu.memref_slice %arg6[%dma_start3A_703, %dma_start3A_704] : memref<3x80xi32, #tpu.memory_space<vmem>> -> memref<1x80xi32, #tpu.memory_space<vmem>>
      %dma_start3A_706 = tpu.memref_squeeze %dma_start3A_705 : memref<1x80xi32, #tpu.memory_space<vmem>> -> memref<80xi32, #tpu.memory_space<vmem>>
      %dma_start3A_707 = tpu.memref_slice %arg3[%add3A_702] : memref<320000xi32, #tpu.memory_space<hbm>> -> memref<80xi32, #tpu.memory_space<hbm>>
      %dma_start3A_708 = arith.constant 0 : i32
      %dma_start3A_709 = tpu.memref_slice %arg6[%dma_start3A_703, %dma_start3A_708] : memref<3x80xi32, #tpu.memory_space<vmem>> -> memref<1x80xi32, #tpu.memory_space<vmem>>
      %dma_start3A_710 = tpu.memref_squeeze %dma_start3A_709 : memref<1x80xi32, #tpu.memory_space<vmem>> -> memref<80xi32, #tpu.memory_space<vmem>>
      %dma_start3A_711 = tpu.memref_slice %arg3[%add3A_702] : memref<320000xi32, #tpu.memory_space<hbm>> -> memref<80xi32, #tpu.memory_space<hbm>>
      tpu.enqueue_dma source(%dma_start3A_711 : memref<80xi32, #tpu.memory_space<hbm>>) target(%dma_start3A_710 : memref<80xi32, #tpu.memory_space<vmem>>) target_semaphore(%arg12 : memref<!tpu.dma_semaphore, #tpu.memory_space<semaphore_mem>>)
      %add3A_712 = arith.constant 2 : i32
      %add3A_713 = arith.addi %add3A_545, %add3A_712 : i32
      %mul3A_714 = arith.constant 10000 : i32
      %mul3A_715 = arith.muli %add3A, %mul3A_714 : i32
      %mul3A_716 = arith.constant 80 : i32
      %mul3A_717 = arith.muli %add3A_713, %mul3A_716 : i32
      %add3A_718 = arith.addi %mul3A_715, %mul3A_717 : i32
      %dma_wait3A_719 = arith.constant 0 : i32
      %dma_wait3A_720 = tpu.memref_slice %arg2[%add3A_718, %dma_wait3A_719] : memref<320000x128xf32, #tpu.memory_space<hbm>> -> memref<80x128xf32, #tpu.memory_space<hbm>>
      %dma_wait3A_721 = arith.constant 0 : i32
      %dma_wait3A_722 = tpu.memref_slice %arg2[%add3A_718, %dma_wait3A_721] : memref<320000x128xf32, #tpu.memory_space<hbm>> -> memref<80x128xf32, #tpu.memory_space<hbm>>
      tpu.wait_dma2 semaphore(%arg11 : memref<!tpu.dma_semaphore, #tpu.memory_space<semaphore_mem>>) src(%dma_wait3A_722 : memref<80x128xf32, #tpu.memory_space<hbm>>) dst(%arg7 : memref<80x128xf32, #tpu.memory_space<vmem>>)
      %mul3A_723 = arith.constant 10000 : i32
      %mul3A_724 = arith.muli %add3A, %mul3A_723 : i32
      %mul3A_725 = arith.constant 80 : i32
      %mul3A_726 = arith.muli %add3A_713, %mul3A_725 : i32
      %add3A_727 = arith.addi %mul3A_724, %mul3A_726 : i32
      %dma_wait3A_728 = arith.constant 0 : i32
      %dma_wait3A_729 = arith.constant 0 : i32
      %dma_wait3A_730 = tpu.memref_slice %arg6[%dma_wait3A_728, %dma_wait3A_729] : memref<3x80xi32, #tpu.memory_space<vmem>> -> memref<1x80xi32, #tpu.memory_space<vmem>>
      %dma_wait3A_731 = tpu.memref_squeeze %dma_wait3A_730 : memref<1x80xi32, #tpu.memory_space<vmem>> -> memref<80xi32, #tpu.memory_space<vmem>>
      %dma_wait3A_732 = tpu.memref_slice %arg3[%add3A_727] : memref<320000xi32, #tpu.memory_space<hbm>> -> memref<80xi32, #tpu.memory_space<hbm>>
      %dma_wait3A_733 = arith.constant 0 : i32
      %dma_wait3A_734 = tpu.memref_slice %arg6[%dma_wait3A_728, %dma_wait3A_733] : memref<3x80xi32, #tpu.memory_space<vmem>> -> memref<1x80xi32, #tpu.memory_space<vmem>>
      %dma_wait3A_735 = tpu.memref_squeeze %dma_wait3A_734 : memref<1x80xi32, #tpu.memory_space<vmem>> -> memref<80xi32, #tpu.memory_space<vmem>>
      %dma_wait3A_736 = tpu.memref_slice %arg3[%add3A_727] : memref<320000xi32, #tpu.memory_space<hbm>> -> memref<80xi32, #tpu.memory_space<hbm>>
      tpu.wait_dma2 semaphore(%arg11 : memref<!tpu.dma_semaphore, #tpu.memory_space<semaphore_mem>>) src(%dma_wait3A_736 : memref<80xi32, #tpu.memory_space<hbm>>) dst(%dma_wait3A_735 : memref<80xi32, #tpu.memory_space<vmem>>)
      %dma_start3A_737 = arith.constant 0 : i32
      %dma_start3A_738 = arith.constant 0 : i32
      %dma_start3A_739 = tpu.memref_slice %arg6[%dma_start3A_737, %dma_start3A_738] : memref<3x80xi32, #tpu.memory_space<vmem>> -> memref<1x80xi32, #tpu.memory_space<vmem>>
      %dma_start3A_740 = tpu.memref_squeeze %dma_start3A_739 : memref<1x80xi32, #tpu.memory_space<vmem>> -> memref<80xi32, #tpu.memory_space<vmem>>
      %dma_start3A_741 = arith.constant 0 : i32
      %dma_start3A_742 = arith.constant 0 : i32
      %dma_start3A_743 = tpu.memref_slice %arg17[%dma_start3A_741, %dma_start3A_742] : memref<10240x128xf32, #tpu.memory_space<vmem_shared>> -> memref<10240x128xf32, #tpu.memory_space<vmem_shared>>
      tpu.enqueue_indirect_dma source(%arg7 : memref<80x128xf32, #tpu.memory_space<vmem>>) target(%dma_start3A_743 : memref<10240x128xf32, #tpu.memory_space<vmem_shared>>) offsets(%dma_start3A_740 : memref<80xi32, #tpu.memory_space<vmem>>) semaphore(%arg14 : memref<!tpu.dma_semaphore, #tpu.memory_space<semaphore_mem>>) {add = true}
      %get3A_744 = arith.constant 0 : i32
      %get3A_745 = arith.index_cast %get3A_744 : i32 to index
      %get3A_746 = arith.constant 0 : index
      %get3A_747 = tpu.vector_load %arg6[%get3A_745, %get3A_746] {strides = array<i32>} : memref<3x80xi32, #tpu.memory_space<vmem>>, vector<16xi32>,
      tpu.vector_store_idx %arg10[%get3A_747], %broadcast_in_dim3A_138 {add = true} : memref<10240xf32, #tpu.memory_space<vmem>>[vector<16xi32>], vector<16xf32>,
      %get3A_748 = arith.constant 0 : i32
      %get3A_749 = arith.index_cast %get3A_748 : i32 to index
      %get3A_750 = arith.constant 16 : index
      %get3A_751 = tpu.vector_load %arg6[%get3A_749, %get3A_750] {strides = array<i32>} : memref<3x80xi32, #tpu.memory_space<vmem>>, vector<16xi32>,
      tpu.vector_store_idx %arg10[%get3A_751], %broadcast_in_dim3A_138 {add = true} : memref<10240xf32, #tpu.memory_space<vmem>>[vector<16xi32>], vector<16xf32>,
      %get3A_752 = arith.constant 0 : i32
      %get3A_753 = arith.index_cast %get3A_752 : i32 to index
      %get3A_754 = arith.constant 32 : index
      %get3A_755 = tpu.vector_load %arg6[%get3A_753, %get3A_754] {strides = array<i32>} : memref<3x80xi32, #tpu.memory_space<vmem>>, vector<16xi32>,
      tpu.vector_store_idx %arg10[%get3A_755], %broadcast_in_dim3A_138 {add = true} : memref<10240xf32, #tpu.memory_space<vmem>>[vector<16xi32>], vector<16xf32>,
      %get3A_756 = arith.constant 0 : i32
      %get3A_757 = arith.index_cast %get3A_756 : i32 to index
      %get3A_758 = arith.constant 48 : index
      %get3A_759 = tpu.vector_load %arg6[%get3A_757, %get3A_758] {strides = array<i32>} : memref<3x80xi32, #tpu.memory_space<vmem>>, vector<16xi32>,
      tpu.vector_store_idx %arg10[%get3A_759], %broadcast_in_dim3A_138 {add = true} : memref<10240xf32, #tpu.memory_space<vmem>>[vector<16xi32>], vector<16xf32>,
      %get3A_760 = arith.constant 0 : i32
      %get3A_761 = arith.index_cast %get3A_760 : i32 to index
      %get3A_762 = arith.constant 64 : index
      %get3A_763 = tpu.vector_load %arg6[%get3A_761, %get3A_762] {strides = array<i32>} : memref<3x80xi32, #tpu.memory_space<vmem>>, vector<16xi32>,
      tpu.vector_store_idx %arg10[%get3A_763], %broadcast_in_dim3A_138 {add = true} : memref<10240xf32, #tpu.memory_space<vmem>>[vector<16xi32>], vector<16xf32>,
      %dma_wait3A_764 = arith.constant 2 : i32
      %dma_wait3A_765 = arith.constant 0 : i32
      %dma_wait3A_766 = tpu.memref_slice %arg6[%dma_wait3A_764, %dma_wait3A_765] : memref<3x80xi32, #tpu.memory_space<vmem>> -> memref<1x80xi32, #tpu.memory_space<vmem>>
      %dma_wait3A_767 = tpu.memref_squeeze %dma_wait3A_766 : memref<1x80xi32, #tpu.memory_space<vmem>> -> memref<80xi32, #tpu.memory_space<vmem>>
      %dma_wait3A_768 = arith.constant 0 : i32
      %dma_wait3A_769 = arith.constant 0 : i32
      %dma_wait3A_770 = tpu.memref_slice %arg17[%dma_wait3A_768, %dma_wait3A_769] : memref<10240x128xf32, #tpu.memory_space<vmem_shared>> -> memref<10240x128xf32, #tpu.memory_space<vmem_shared>>
      tpu.wait_indirect_dma semaphore(%arg16 : memref<!tpu.dma_semaphore, #tpu.memory_space<semaphore_mem>>) src(%arg9 : memref<80x128xf32, #tpu.memory_space<vmem>>) dst(%dma_wait3A_770 : memref<10240x128xf32, #tpu.memory_space<vmem_shared>>)
      %add3A_771 = arith.constant 2 : i32
      %add3A_772 = arith.addi %add3A_713, %add3A_771 : i32
      %mul3A_773 = arith.constant 10000 : i32
      %mul3A_774 = arith.muli %add3A, %mul3A_773 : i32
      %mul3A_775 = arith.constant 80 : i32
      %mul3A_776 = arith.muli %add3A_772, %mul3A_775 : i32
      %add3A_777 = arith.addi %mul3A_774, %mul3A_776 : i32
      %dma_start3A_778 = arith.constant 0 : i32
      %dma_start3A_779 = tpu.memref_slice %arg2[%add3A_777, %dma_start3A_778] : memref<320000x128xf32, #tpu.memory_space<hbm>> -> memref<80x128xf32, #tpu.memory_space<hbm>>
      %dma_start3A_780 = arith.constant 0 : i32
      %dma_start3A_781 = tpu.memref_slice %arg2[%add3A_777, %dma_start3A_780] : memref<320000x128xf32, #tpu.memory_space<hbm>> -> memref<80x128xf32, #tpu.memory_space<hbm>>
      tpu.enqueue_dma source(%dma_start3A_781 : memref<80x128xf32, #tpu.memory_space<hbm>>) target(%arg9 : memref<80x128xf32, #tpu.memory_space<vmem>>) target_semaphore(%arg13 : memref<!tpu.dma_semaphore, #tpu.memory_space<semaphore_mem>>)
      %mul3A_782 = arith.constant 10000 : i32
      %mul3A_783 = arith.muli %add3A, %mul3A_782 : i32
      %mul3A_784 = arith.constant 80 : i32
      %mul3A_785 = arith.muli %add3A_772, %mul3A_784 : i32
      %add3A_786 = arith.addi %mul3A_783, %mul3A_785 : i32
      %dma_start3A_787 = arith.constant 2 : i32
      %dma_start3A_788 = arith.constant 0 : i32
      %dma_start3A_789 = tpu.memref_slice %arg6[%dma_start3A_787, %dma_start3A_788] : memref<3x80xi32, #tpu.memory_space<vmem>> -> memref<1x80xi32, #tpu.memory_space<vmem>>
      %dma_start3A_790 = tpu.memref_squeeze %dma_start3A_789 : memref<1x80xi32, #tpu.memory_space<vmem>> -> memref<80xi32, #tpu.memory_space<vmem>>
      %dma_start3A_791 = tpu.memref_slice %arg3[%add3A_786] : memref<320000xi32, #tpu.memory_space<hbm>> -> memref<80xi32, #tpu.memory_space<hbm>>
      %dma_start3A_792 = arith.constant 0 : i32
      %dma_start3A_793 = tpu.memref_slice %arg6[%dma_start3A_787, %dma_start3A_792] : memref<3x80xi32, #tpu.memory_space<vmem>> -> memref<1x80xi32, #tpu.memory_space<vmem>>
      %dma_start3A_794 = tpu.memref_squeeze %dma_start3A_793 : memref<1x80xi32, #tpu.memory_space<vmem>> -> memref<80xi32, #tpu.memory_space<vmem>>
      %dma_start3A_795 = tpu.memref_slice %arg3[%add3A_786] : memref<320000xi32, #tpu.memory_space<hbm>> -> memref<80xi32, #tpu.memory_space<hbm>>
      tpu.enqueue_dma source(%dma_start3A_795 : memref<80xi32, #tpu.memory_space<hbm>>) target(%dma_start3A_794 : memref<80xi32, #tpu.memory_space<vmem>>) target_semaphore(%arg13 : memref<!tpu.dma_semaphore, #tpu.memory_space<semaphore_mem>>)
    }
    %scan3A_254 = arith.constant 40 : i32
    %mul3A_255 = arith.constant 10000 : i32
    %mul3A_256 = arith.muli %add3A, %mul3A_255 : i32
    %add3A_257 = arith.constant 9680 : i32
    %add3A_258 = arith.addi %mul3A_256, %add3A_257 : i32
    %dma_wait3A_259 = arith.constant 0 : i32
    %dma_wait3A_260 = tpu.memref_slice %arg2[%add3A_258, %dma_wait3A_259] : memref<320000x128xf32, #tpu.memory_space<hbm>> -> memref<80x128xf32, #tpu.memory_space<hbm>>
    %dma_wait3A_261 = arith.constant 0 : i32
    %dma_wait3A_262 = tpu.memref_slice %arg2[%add3A_258, %dma_wait3A_261] : memref<320000x128xf32, #tpu.memory_space<hbm>> -> memref<80x128xf32, #tpu.memory_space<hbm>>
    tpu.wait_dma2 semaphore(%arg12 : memref<!tpu.dma_semaphore, #tpu.memory_space<semaphore_mem>>) src(%dma_wait3A_262 : memref<80x128xf32, #tpu.memory_space<hbm>>) dst(%arg8 : memref<80x128xf32, #tpu.memory_space<vmem>>)
    %mul3A_263 = arith.constant 10000 : i32
    %mul3A_264 = arith.muli %add3A, %mul3A_263 : i32
    %add3A_265 = arith.constant 9680 : i32
    %add3A_266 = arith.addi %mul3A_264, %add3A_265 : i32
    %dma_wait3A_267 = arith.constant 1 : i32
    %dma_wait3A_268 = arith.constant 0 : i32
    %dma_wait3A_269 = tpu.memref_slice %arg6[%dma_wait3A_267, %dma_wait3A_268] : memref<3x80xi32, #tpu.memory_space<vmem>> -> memref<1x80xi32, #tpu.memory_space<vmem>>
    %dma_wait3A_270 = tpu.memref_squeeze %dma_wait3A_269 : memref<1x80xi32, #tpu.memory_space<vmem>> -> memref<80xi32, #tpu.memory_space<vmem>>
    %dma_wait3A_271 = tpu.memref_slice %arg3[%add3A_266] : memref<320000xi32, #tpu.memory_space<hbm>> -> memref<80xi32, #tpu.memory_space<hbm>>
    %dma_wait3A_272 = arith.constant 0 : i32
    %dma_wait3A_273 = tpu.memref_slice %arg6[%dma_wait3A_267, %dma_wait3A_272] : memref<3x80xi32, #tpu.memory_space<vmem>> -> memref<1x80xi32, #tpu.memory_space<vmem>>
    %dma_wait3A_274 = tpu.memref_squeeze %dma_wait3A_273 : memref<1x80xi32, #tpu.memory_space<vmem>> -> memref<80xi32, #tpu.memory_space<vmem>>
    %dma_wait3A_275 = tpu.memref_slice %arg3[%add3A_266] : memref<320000xi32, #tpu.memory_space<hbm>> -> memref<80xi32, #tpu.memory_space<hbm>>
    tpu.wait_dma2 semaphore(%arg12 : memref<!tpu.dma_semaphore, #tpu.memory_space<semaphore_mem>>) src(%dma_wait3A_275 : memref<80xi32, #tpu.memory_space<hbm>>) dst(%dma_wait3A_274 : memref<80xi32, #tpu.memory_space<vmem>>)
    %dma_start3A_276 = arith.constant 1 : i32
    %dma_start3A_277 = arith.constant 0 : i32
    %dma_start3A_278 = tpu.memref_slice %arg6[%dma_start3A_276, %dma_start3A_277] : memref<3x80xi32, #tpu.memory_space<vmem>> -> memref<1x80xi32, #tpu.memory_space<vmem>>
    %dma_start3A_279 = tpu.memref_squeeze %dma_start3A_278 : memref<1x80xi32, #tpu.memory_space<vmem>> -> memref<80xi32, #tpu.memory_space<vmem>>
    %dma_start3A_280 = arith.constant 0 : i32
    %dma_start3A_281 = arith.constant 0 : i32
    %dma_start3A_282 = tpu.memref_slice %arg17[%dma_start3A_280, %dma_start3A_281] : memref<10240x128xf32, #tpu.memory_space<vmem_shared>> -> memref<10240x128xf32, #tpu.memory_space<vmem_shared>>
    tpu.enqueue_indirect_dma source(%arg8 : memref<80x128xf32, #tpu.memory_space<vmem>>) target(%dma_start3A_282 : memref<10240x128xf32, #tpu.memory_space<vmem_shared>>) offsets(%dma_start3A_279 : memref<80xi32, #tpu.memory_space<vmem>>) semaphore(%arg15 : memref<!tpu.dma_semaphore, #tpu.memory_space<semaphore_mem>>) {add = true}
    %get3A_283 = arith.constant 1 : i32
    %get3A_284 = arith.index_cast %get3A_283 : i32 to index
    %get3A_285 = arith.constant 0 : index
    %get3A_286 = tpu.vector_load %arg6[%get3A_284, %get3A_285] {strides = array<i32>} : memref<3x80xi32, #tpu.memory_space<vmem>>, vector<16xi32>,
    tpu.vector_store_idx %arg10[%get3A_286], %broadcast_in_dim3A_138 {add = true} : memref<10240xf32, #tpu.memory_space<vmem>>[vector<16xi32>], vector<16xf32>,
    %get3A_287 = arith.constant 1 : i32
    %get3A_288 = arith.index_cast %get3A_287 : i32 to index
    %get3A_289 = arith.constant 16 : index
    %get3A_290 = tpu.vector_load %arg6[%get3A_288, %get3A_289] {strides = array<i32>} : memref<3x80xi32, #tpu.memory_space<vmem>>, vector<16xi32>,
    tpu.vector_store_idx %arg10[%get3A_290], %broadcast_in_dim3A_138 {add = true} : memref<10240xf32, #tpu.memory_space<vmem>>[vector<16xi32>], vector<16xf32>,
    %get3A_291 = arith.constant 1 : i32
    %get3A_292 = arith.index_cast %get3A_291 : i32 to index
    %get3A_293 = arith.constant 32 : index
    %get3A_294 = tpu.vector_load %arg6[%get3A_292, %get3A_293] {strides = array<i32>} : memref<3x80xi32, #tpu.memory_space<vmem>>, vector<16xi32>,
    tpu.vector_store_idx %arg10[%get3A_294], %broadcast_in_dim3A_138 {add = true} : memref<10240xf32, #tpu.memory_space<vmem>>[vector<16xi32>], vector<16xf32>,
    %get3A_295 = arith.constant 1 : i32
    %get3A_296 = arith.index_cast %get3A_295 : i32 to index
    %get3A_297 = arith.constant 48 : index
    %get3A_298 = tpu.vector_load %arg6[%get3A_296, %get3A_297] {strides = array<i32>} : memref<3x80xi32, #tpu.memory_space<vmem>>, vector<16xi32>,
    tpu.vector_store_idx %arg10[%get3A_298], %broadcast_in_dim3A_138 {add = true} : memref<10240xf32, #tpu.memory_space<vmem>>[vector<16xi32>], vector<16xf32>,
    %get3A_299 = arith.constant 1 : i32
    %get3A_300 = arith.index_cast %get3A_299 : i32 to index
    %get3A_301 = arith.constant 64 : index
    %get3A_302 = tpu.vector_load %arg6[%get3A_300, %get3A_301] {strides = array<i32>} : memref<3x80xi32, #tpu.memory_space<vmem>>, vector<16xi32>,
    tpu.vector_store_idx %arg10[%get3A_302], %broadcast_in_dim3A_138 {add = true} : memref<10240xf32, #tpu.memory_space<vmem>>[vector<16xi32>], vector<16xf32>,
    %dma_wait3A_303 = arith.constant 0 : i32
    %dma_wait3A_304 = arith.constant 0 : i32
    %dma_wait3A_305 = tpu.memref_slice %arg6[%dma_wait3A_303, %dma_wait3A_304] : memref<3x80xi32, #tpu.memory_space<vmem>> -> memref<1x80xi32, #tpu.memory_space<vmem>>
    %dma_wait3A_306 = tpu.memref_squeeze %dma_wait3A_305 : memref<1x80xi32, #tpu.memory_space<vmem>> -> memref<80xi32, #tpu.memory_space<vmem>>
    %dma_wait3A_307 = arith.constant 0 : i32
    %dma_wait3A_308 = arith.constant 0 : i32
    %dma_wait3A_309 = tpu.memref_slice %arg17[%dma_wait3A_307, %dma_wait3A_308] : memref<10240x128xf32, #tpu.memory_space<vmem_shared>> -> memref<10240x128xf32, #tpu.memory_space<vmem_shared>>
    tpu.wait_indirect_dma semaphore(%arg14 : memref<!tpu.dma_semaphore, #tpu.memory_space<semaphore_mem>>) src(%arg7 : memref<80x128xf32, #tpu.memory_space<vmem>>) dst(%dma_wait3A_309 : memref<10240x128xf32, #tpu.memory_space<vmem_shared>>)
    %mul3A_310 = arith.constant 10000 : i32
    %mul3A_311 = arith.muli %add3A, %mul3A_310 : i32
    %add3A_312 = arith.constant 9840 : i32
    %add3A_313 = arith.addi %mul3A_311, %add3A_312 : i32
    %dma_start3A_314 = arith.constant 0 : i32
    %dma_start3A_315 = tpu.memref_slice %arg2[%add3A_313, %dma_start3A_314] : memref<320000x128xf32, #tpu.memory_space<hbm>> -> memref<80x128xf32, #tpu.memory_space<hbm>>
    %dma_start3A_316 = arith.constant 0 : i32
    %dma_start3A_317 = tpu.memref_slice %arg2[%add3A_313, %dma_start3A_316] : memref<320000x128xf32, #tpu.memory_space<hbm>> -> memref<80x128xf32, #tpu.memory_space<hbm>>
    tpu.enqueue_dma source(%dma_start3A_317 : memref<80x128xf32, #tpu.memory_space<hbm>>) target(%arg7 : memref<80x128xf32, #tpu.memory_space<vmem>>) target_semaphore(%arg11 : memref<!tpu.dma_semaphore, #tpu.memory_space<semaphore_mem>>)
    %mul3A_318 = arith.constant 10000 : i32
    %mul3A_319 = arith.muli %add3A, %mul3A_318 : i32
    %add3A_320 = arith.constant 9840 : i32
    %add3A_321 = arith.addi %mul3A_319, %add3A_320 : i32
    %dma_start3A_322 = arith.constant 0 : i32
    %dma_start3A_323 = arith.constant 0 : i32
    %dma_start3A_324 = tpu.memref_slice %arg6[%dma_start3A_322, %dma_start3A_323] : memref<3x80xi32, #tpu.memory_space<vmem>> -> memref<1x80xi32, #tpu.memory_space<vmem>>
    %dma_start3A_325 = tpu.memref_squeeze %dma_start3A_324 : memref<1x80xi32, #tpu.memory_space<vmem>> -> memref<80xi32, #tpu.memory_space<vmem>>
    %dma_start3A_326 = tpu.memref_slice %arg3[%add3A_321] : memref<320000xi32, #tpu.memory_space<hbm>> -> memref<80xi32, #tpu.memory_space<hbm>>
    %dma_start3A_327 = arith.constant 0 : i32
    %dma_start3A_328 = tpu.memref_slice %arg6[%dma_start3A_322, %dma_start3A_327] : memref<3x80xi32, #tpu.memory_space<vmem>> -> memref<1x80xi32, #tpu.memory_space<vmem>>
    %dma_start3A_329 = tpu.memref_squeeze %dma_start3A_328 : memref<1x80xi32, #tpu.memory_space<vmem>> -> memref<80xi32, #tpu.memory_space<vmem>>
    %dma_start3A_330 = tpu.memref_slice %arg3[%add3A_321] : memref<320000xi32, #tpu.memory_space<hbm>> -> memref<80xi32, #tpu.memory_space<hbm>>
    tpu.enqueue_dma source(%dma_start3A_330 : memref<80xi32, #tpu.memory_space<hbm>>) target(%dma_start3A_329 : memref<80xi32, #tpu.memory_space<vmem>>) target_semaphore(%arg11 : memref<!tpu.dma_semaphore, #tpu.memory_space<semaphore_mem>>)
    %mul3A_331 = arith.constant 10000 : i32
    %mul3A_332 = arith.muli %add3A, %mul3A_331 : i32
    %add3A_333 = arith.constant 9760 : i32
    %add3A_334 = arith.addi %mul3A_332, %add3A_333 : i32
    %dma_wait3A_335 = arith.constant 0 : i32
    %dma_wait3A_336 = tpu.memref_slice %arg2[%add3A_334, %dma_wait3A_335] : memref<320000x128xf32, #tpu.memory_space<hbm>> -> memref<80x128xf32, #tpu.memory_space<hbm>>
    %dma_wait3A_337 = arith.constant 0 : i32
    %dma_wait3A_338 = tpu.memref_slice %arg2[%add3A_334, %dma_wait3A_337] : memref<320000x128xf32, #tpu.memory_space<hbm>> -> memref<80x128xf32, #tpu.memory_space<hbm>>
    tpu.wait_dma2 semaphore(%arg13 : memref<!tpu.dma_semaphore, #tpu.memory_space<semaphore_mem>>) src(%dma_wait3A_338 : memref<80x128xf32, #tpu.memory_space<hbm>>) dst(%arg9 : memref<80x128xf32, #tpu.memory_space<vmem>>)
    %mul3A_339 = arith.constant 10000 : i32
    %mul3A_340 = arith.muli %add3A, %mul3A_339 : i32
    %add3A_341 = arith.constant 9760 : i32
    %add3A_342 = arith.addi %mul3A_340, %add3A_341 : i32
    %dma_wait3A_343 = arith.constant 2 : i32
    %dma_wait3A_344 = arith.constant 0 : i32
    %dma_wait3A_345 = tpu.memref_slice %arg6[%dma_wait3A_343, %dma_wait3A_344] : memref<3x80xi32, #tpu.memory_space<vmem>> -> memref<1x80xi32, #tpu.memory_space<vmem>>
    %dma_wait3A_346 = tpu.memref_squeeze %dma_wait3A_345 : memref<1x80xi32, #tpu.memory_space<vmem>> -> memref<80xi32, #tpu.memory_space<vmem>>
    %dma_wait3A_347 = tpu.memref_slice %arg3[%add3A_342] : memref<320000xi32, #tpu.memory_space<hbm>> -> memref<80xi32, #tpu.memory_space<hbm>>
    %dma_wait3A_348 = arith.constant 0 : i32
    %dma_wait3A_349 = tpu.memref_slice %arg6[%dma_wait3A_343, %dma_wait3A_348] : memref<3x80xi32, #tpu.memory_space<vmem>> -> memref<1x80xi32, #tpu.memory_space<vmem>>
    %dma_wait3A_350 = tpu.memref_squeeze %dma_wait3A_349 : memref<1x80xi32, #tpu.memory_space<vmem>> -> memref<80xi32, #tpu.memory_space<vmem>>
    %dma_wait3A_351 = tpu.memref_slice %arg3[%add3A_342] : memref<320000xi32, #tpu.memory_space<hbm>> -> memref<80xi32, #tpu.memory_space<hbm>>
    tpu.wait_dma2 semaphore(%arg13 : memref<!tpu.dma_semaphore, #tpu.memory_space<semaphore_mem>>) src(%dma_wait3A_351 : memref<80xi32, #tpu.memory_space<hbm>>) dst(%dma_wait3A_350 : memref<80xi32, #tpu.memory_space<vmem>>)
    %dma_start3A_352 = arith.constant 2 : i32
    %dma_start3A_353 = arith.constant 0 : i32
    %dma_start3A_354 = tpu.memref_slice %arg6[%dma_start3A_352, %dma_start3A_353] : memref<3x80xi32, #tpu.memory_space<vmem>> -> memref<1x80xi32, #tpu.memory_space<vmem>>
    %dma_start3A_355 = tpu.memref_squeeze %dma_start3A_354 : memref<1x80xi32, #tpu.memory_space<vmem>> -> memref<80xi32, #tpu.memory_space<vmem>>
    %dma_start3A_356 = arith.constant 0 : i32
    %dma_start3A_357 = arith.constant 0 : i32
    %dma_start3A_358 = tpu.memref_slice %arg17[%dma_start3A_356, %dma_start3A_357] : memref<10240x128xf32, #tpu.memory_space<vmem_shared>> -> memref<10240x128xf32, #tpu.memory_space<vmem_shared>>
    tpu.enqueue_indirect_dma source(%arg9 : memref<80x128xf32, #tpu.memory_space<vmem>>) target(%dma_start3A_358 : memref<10240x128xf32, #tpu.memory_space<vmem_shared>>) offsets(%dma_start3A_355 : memref<80xi32, #tpu.memory_space<vmem>>) semaphore(%arg16 : memref<!tpu.dma_semaphore, #tpu.memory_space<semaphore_mem>>) {add = true}
    %get3A_359 = arith.constant 2 : i32
    %get3A_360 = arith.index_cast %get3A_359 : i32 to index
    %get3A_361 = arith.constant 0 : index
    %get3A_362 = tpu.vector_load %arg6[%get3A_360, %get3A_361] {strides = array<i32>} : memref<3x80xi32, #tpu.memory_space<vmem>>, vector<16xi32>,
    tpu.vector_store_idx %arg10[%get3A_362], %broadcast_in_dim3A_138 {add = true} : memref<10240xf32, #tpu.memory_space<vmem>>[vector<16xi32>], vector<16xf32>,
    %get3A_363 = arith.constant 2 : i32
    %get3A_364 = arith.index_cast %get3A_363 : i32 to index
    %get3A_365 = arith.constant 16 : index
    %get3A_366 = tpu.vector_load %arg6[%get3A_364, %get3A_365] {strides = array<i32>} : memref<3x80xi32, #tpu.memory_space<vmem>>, vector<16xi32>,
    tpu.vector_store_idx %arg10[%get3A_366], %broadcast_in_dim3A_138 {add = true} : memref<10240xf32, #tpu.memory_space<vmem>>[vector<16xi32>], vector<16xf32>,
    %get3A_367 = arith.constant 2 : i32
    %get3A_368 = arith.index_cast %get3A_367 : i32 to index
    %get3A_369 = arith.constant 32 : index
    %get3A_370 = tpu.vector_load %arg6[%get3A_368, %get3A_369] {strides = array<i32>} : memref<3x80xi32, #tpu.memory_space<vmem>>, vector<16xi32>,
    tpu.vector_store_idx %arg10[%get3A_370], %broadcast_in_dim3A_138 {add = true} : memref<10240xf32, #tpu.memory_space<vmem>>[vector<16xi32>], vector<16xf32>,
    %get3A_371 = arith.constant 2 : i32
    %get3A_372 = arith.index_cast %get3A_371 : i32 to index
    %get3A_373 = arith.constant 48 : index
    %get3A_374 = tpu.vector_load %arg6[%get3A_372, %get3A_373] {strides = array<i32>} : memref<3x80xi32, #tpu.memory_space<vmem>>, vector<16xi32>,
    tpu.vector_store_idx %arg10[%get3A_374], %broadcast_in_dim3A_138 {add = true} : memref<10240xf32, #tpu.memory_space<vmem>>[vector<16xi32>], vector<16xf32>,
    %get3A_375 = arith.constant 2 : i32
    %get3A_376 = arith.index_cast %get3A_375 : i32 to index
    %get3A_377 = arith.constant 64 : index
    %get3A_378 = tpu.vector_load %arg6[%get3A_376, %get3A_377] {strides = array<i32>} : memref<3x80xi32, #tpu.memory_space<vmem>>, vector<16xi32>,
    tpu.vector_store_idx %arg10[%get3A_378], %broadcast_in_dim3A_138 {add = true} : memref<10240xf32, #tpu.memory_space<vmem>>[vector<16xi32>], vector<16xf32>,
    %dma_wait3A_379 = arith.constant 1 : i32
    %dma_wait3A_380 = arith.constant 0 : i32
    %dma_wait3A_381 = tpu.memref_slice %arg6[%dma_wait3A_379, %dma_wait3A_380] : memref<3x80xi32, #tpu.memory_space<vmem>> -> memref<1x80xi32, #tpu.memory_space<vmem>>
    %dma_wait3A_382 = tpu.memref_squeeze %dma_wait3A_381 : memref<1x80xi32, #tpu.memory_space<vmem>> -> memref<80xi32, #tpu.memory_space<vmem>>
    %dma_wait3A_383 = arith.constant 0 : i32
    %dma_wait3A_384 = arith.constant 0 : i32
    %dma_wait3A_385 = tpu.memref_slice %arg17[%dma_wait3A_383, %dma_wait3A_384] : memref<10240x128xf32, #tpu.memory_space<vmem_shared>> -> memref<10240x128xf32, #tpu.memory_space<vmem_shared>>
    tpu.wait_indirect_dma semaphore(%arg15 : memref<!tpu.dma_semaphore, #tpu.memory_space<semaphore_mem>>) src(%arg8 : memref<80x128xf32, #tpu.memory_space<vmem>>) dst(%dma_wait3A_385 : memref<10240x128xf32, #tpu.memory_space<vmem_shared>>)
    %mul3A_386 = arith.constant 10000 : i32
    %mul3A_387 = arith.muli %add3A, %mul3A_386 : i32
    %add3A_388 = arith.constant 9920 : i32
    %add3A_389 = arith.addi %mul3A_387, %add3A_388 : i32
    %dma_start3A_390 = arith.constant 0 : i32
    %dma_start3A_391 = tpu.memref_slice %arg2[%add3A_389, %dma_start3A_390] : memref<320000x128xf32, #tpu.memory_space<hbm>> -> memref<80x128xf32, #tpu.memory_space<hbm>>
    %dma_start3A_392 = arith.constant 0 : i32
    %dma_start3A_393 = tpu.memref_slice %arg2[%add3A_389, %dma_start3A_392] : memref<320000x128xf32, #tpu.memory_space<hbm>> -> memref<80x128xf32, #tpu.memory_space<hbm>>
    tpu.enqueue_dma source(%dma_start3A_393 : memref<80x128xf32, #tpu.memory_space<hbm>>) target(%arg8 : memref<80x128xf32, #tpu.memory_space<vmem>>) target_semaphore(%arg12 : memref<!tpu.dma_semaphore, #tpu.memory_space<semaphore_mem>>)
    %mul3A_394 = arith.constant 10000 : i32
    %mul3A_395 = arith.muli %add3A, %mul3A_394 : i32
    %add3A_396 = arith.constant 9920 : i32
    %add3A_397 = arith.addi %mul3A_395, %add3A_396 : i32
    %dma_start3A_398 = arith.constant 1 : i32
    %dma_start3A_399 = arith.constant 0 : i32
    %dma_start3A_400 = tpu.memref_slice %arg6[%dma_start3A_398, %dma_start3A_399] : memref<3x80xi32, #tpu.memory_space<vmem>> -> memref<1x80xi32, #tpu.memory_space<vmem>>
    %dma_start3A_401 = tpu.memref_squeeze %dma_start3A_400 : memref<1x80xi32, #tpu.memory_space<vmem>> -> memref<80xi32, #tpu.memory_space<vmem>>
    %dma_start3A_402 = tpu.memref_slice %arg3[%add3A_397] : memref<320000xi32, #tpu.memory_space<hbm>> -> memref<80xi32, #tpu.memory_space<hbm>>
    %dma_start3A_403 = arith.constant 0 : i32
    %dma_start3A_404 = tpu.memref_slice %arg6[%dma_start3A_398, %dma_start3A_403] : memref<3x80xi32, #tpu.memory_space<vmem>> -> memref<1x80xi32, #tpu.memory_space<vmem>>
    %dma_start3A_405 = tpu.memref_squeeze %dma_start3A_404 : memref<1x80xi32, #tpu.memory_space<vmem>> -> memref<80xi32, #tpu.memory_space<vmem>>
    %dma_start3A_406 = tpu.memref_slice %arg3[%add3A_397] : memref<320000xi32, #tpu.memory_space<hbm>> -> memref<80xi32, #tpu.memory_space<hbm>>
    tpu.enqueue_dma source(%dma_start3A_406 : memref<80xi32, #tpu.memory_space<hbm>>) target(%dma_start3A_405 : memref<80xi32, #tpu.memory_space<vmem>>) target_semaphore(%arg12 : memref<!tpu.dma_semaphore, #tpu.memory_space<semaphore_mem>>)
    %mul3A_407 = arith.constant 10000 : i32
    %mul3A_408 = arith.muli %add3A, %mul3A_407 : i32
    %add3A_409 = arith.constant 9840 : i32
    %add3A_410 = arith.addi %mul3A_408, %add3A_409 : i32
    %dma_wait3A_411 = arith.constant 0 : i32
    %dma_wait3A_412 = tpu.memref_slice %arg2[%add3A_410, %dma_wait3A_411] : memref<320000x128xf32, #tpu.memory_space<hbm>> -> memref<80x128xf32, #tpu.memory_space<hbm>>
    %dma_wait3A_413 = arith.constant 0 : i32
    %dma_wait3A_414 = tpu.memref_slice %arg2[%add3A_410, %dma_wait3A_413] : memref<320000x128xf32, #tpu.memory_space<hbm>> -> memref<80x128xf32, #tpu.memory_space<hbm>>
    tpu.wait_dma2 semaphore(%arg11 : memref<!tpu.dma_semaphore, #tpu.memory_space<semaphore_mem>>) src(%dma_wait3A_414 : memref<80x128xf32, #tpu.memory_space<hbm>>) dst(%arg7 : memref<80x128xf32, #tpu.memory_space<vmem>>)
    %mul3A_415 = arith.constant 10000 : i32
    %mul3A_416 = arith.muli %add3A, %mul3A_415 : i32
    %add3A_417 = arith.constant 9840 : i32
    %add3A_418 = arith.addi %mul3A_416, %add3A_417 : i32
    %dma_wait3A_419 = arith.constant 0 : i32
    %dma_wait3A_420 = arith.constant 0 : i32
    %dma_wait3A_421 = tpu.memref_slice %arg6[%dma_wait3A_419, %dma_wait3A_420] : memref<3x80xi32, #tpu.memory_space<vmem>> -> memref<1x80xi32, #tpu.memory_space<vmem>>
    %dma_wait3A_422 = tpu.memref_squeeze %dma_wait3A_421 : memref<1x80xi32, #tpu.memory_space<vmem>> -> memref<80xi32, #tpu.memory_space<vmem>>
    %dma_wait3A_423 = tpu.memref_slice %arg3[%add3A_418] : memref<320000xi32, #tpu.memory_space<hbm>> -> memref<80xi32, #tpu.memory_space<hbm>>
    %dma_wait3A_424 = arith.constant 0 : i32
    %dma_wait3A_425 = tpu.memref_slice %arg6[%dma_wait3A_419, %dma_wait3A_424] : memref<3x80xi32, #tpu.memory_space<vmem>> -> memref<1x80xi32, #tpu.memory_space<vmem>>
    %dma_wait3A_426 = tpu.memref_squeeze %dma_wait3A_425 : memref<1x80xi32, #tpu.memory_space<vmem>> -> memref<80xi32, #tpu.memory_space<vmem>>
    %dma_wait3A_427 = tpu.memref_slice %arg3[%add3A_418] : memref<320000xi32, #tpu.memory_space<hbm>> -> memref<80xi32, #tpu.memory_space<hbm>>
    tpu.wait_dma2 semaphore(%arg11 : memref<!tpu.dma_semaphore, #tpu.memory_space<semaphore_mem>>) src(%dma_wait3A_427 : memref<80xi32, #tpu.memory_space<hbm>>) dst(%dma_wait3A_426 : memref<80xi32, #tpu.memory_space<vmem>>)
    %dma_start3A_428 = arith.constant 0 : i32
    %dma_start3A_429 = arith.constant 0 : i32
    %dma_start3A_430 = tpu.memref_slice %arg6[%dma_start3A_428, %dma_start3A_429] : memref<3x80xi32, #tpu.memory_space<vmem>> -> memref<1x80xi32, #tpu.memory_space<vmem>>
    %dma_start3A_431 = tpu.memref_squeeze %dma_start3A_430 : memref<1x80xi32, #tpu.memory_space<vmem>> -> memref<80xi32, #tpu.memory_space<vmem>>
    %dma_start3A_432 = arith.constant 0 : i32
    %dma_start3A_433 = arith.constant 0 : i32
    %dma_start3A_434 = tpu.memref_slice %arg17[%dma_start3A_432, %dma_start3A_433] : memref<10240x128xf32, #tpu.memory_space<vmem_shared>> -> memref<10240x128xf32, #tpu.memory_space<vmem_shared>>
    tpu.enqueue_indirect_dma source(%arg7 : memref<80x128xf32, #tpu.memory_space<vmem>>) target(%dma_start3A_434 : memref<10240x128xf32, #tpu.memory_space<vmem_shared>>) offsets(%dma_start3A_431 : memref<80xi32, #tpu.memory_space<vmem>>) semaphore(%arg14 : memref<!tpu.dma_semaphore, #tpu.memory_space<semaphore_mem>>) {add = true}
    %get3A_435 = arith.constant 0 : i32
    %get3A_436 = arith.index_cast %get3A_435 : i32 to index
    %get3A_437 = arith.constant 0 : index
    %get3A_438 = tpu.vector_load %arg6[%get3A_436, %get3A_437] {strides = array<i32>} : memref<3x80xi32, #tpu.memory_space<vmem>>, vector<16xi32>,
    tpu.vector_store_idx %arg10[%get3A_438], %broadcast_in_dim3A_138 {add = true} : memref<10240xf32, #tpu.memory_space<vmem>>[vector<16xi32>], vector<16xf32>,
    %get3A_439 = arith.constant 0 : i32
    %get3A_440 = arith.index_cast %get3A_439 : i32 to index
    %get3A_441 = arith.constant 16 : index
    %get3A_442 = tpu.vector_load %arg6[%get3A_440, %get3A_441] {strides = array<i32>} : memref<3x80xi32, #tpu.memory_space<vmem>>, vector<16xi32>,
    tpu.vector_store_idx %arg10[%get3A_442], %broadcast_in_dim3A_138 {add = true} : memref<10240xf32, #tpu.memory_space<vmem>>[vector<16xi32>], vector<16xf32>,
    %get3A_443 = arith.constant 0 : i32
    %get3A_444 = arith.index_cast %get3A_443 : i32 to index
    %get3A_445 = arith.constant 32 : index
    %get3A_446 = tpu.vector_load %arg6[%get3A_444, %get3A_445] {strides = array<i32>} : memref<3x80xi32, #tpu.memory_space<vmem>>, vector<16xi32>,
    tpu.vector_store_idx %arg10[%get3A_446], %broadcast_in_dim3A_138 {add = true} : memref<10240xf32, #tpu.memory_space<vmem>>[vector<16xi32>], vector<16xf32>,
    %get3A_447 = arith.constant 0 : i32
    %get3A_448 = arith.index_cast %get3A_447 : i32 to index
    %get3A_449 = arith.constant 48 : index
    %get3A_450 = tpu.vector_load %arg6[%get3A_448, %get3A_449] {strides = array<i32>} : memref<3x80xi32, #tpu.memory_space<vmem>>, vector<16xi32>,
    tpu.vector_store_idx %arg10[%get3A_450], %broadcast_in_dim3A_138 {add = true} : memref<10240xf32, #tpu.memory_space<vmem>>[vector<16xi32>], vector<16xf32>,
    %get3A_451 = arith.constant 0 : i32
    %get3A_452 = arith.index_cast %get3A_451 : i32 to index
    %get3A_453 = arith.constant 64 : index
    %get3A_454 = tpu.vector_load %arg6[%get3A_452, %get3A_453] {strides = array<i32>} : memref<3x80xi32, #tpu.memory_space<vmem>>, vector<16xi32>,
    tpu.vector_store_idx %arg10[%get3A_454], %broadcast_in_dim3A_138 {add = true} : memref<10240xf32, #tpu.memory_space<vmem>>[vector<16xi32>], vector<16xf32>,
    %dma_wait3A_455 = arith.constant 2 : i32
    %dma_wait3A_456 = arith.constant 0 : i32
    %dma_wait3A_457 = tpu.memref_slice %arg6[%dma_wait3A_455, %dma_wait3A_456] : memref<3x80xi32, #tpu.memory_space<vmem>> -> memref<1x80xi32, #tpu.memory_space<vmem>>
    %dma_wait3A_458 = tpu.memref_squeeze %dma_wait3A_457 : memref<1x80xi32, #tpu.memory_space<vmem>> -> memref<80xi32, #tpu.memory_space<vmem>>
    %dma_wait3A_459 = arith.constant 0 : i32
    %dma_wait3A_460 = arith.constant 0 : i32
    %dma_wait3A_461 = tpu.memref_slice %arg17[%dma_wait3A_459, %dma_wait3A_460] : memref<10240x128xf32, #tpu.memory_space<vmem_shared>> -> memref<10240x128xf32, #tpu.memory_space<vmem_shared>>
    tpu.wait_indirect_dma semaphore(%arg16 : memref<!tpu.dma_semaphore, #tpu.memory_space<semaphore_mem>>) src(%arg9 : memref<80x128xf32, #tpu.memory_space<vmem>>) dst(%dma_wait3A_461 : memref<10240x128xf32, #tpu.memory_space<vmem_shared>>)
    %mul3A_462 = arith.constant 10000 : i32
    %mul3A_463 = arith.muli %add3A, %mul3A_462 : i32
    %add3A_464 = arith.constant 9920 : i32
    %add3A_465 = arith.addi %mul3A_463, %add3A_464 : i32
    %dma_wait3A_466 = arith.constant 0 : i32
    %dma_wait3A_467 = tpu.memref_slice %arg2[%add3A_465, %dma_wait3A_466] : memref<320000x128xf32, #tpu.memory_space<hbm>> -> memref<80x128xf32, #tpu.memory_space<hbm>>
    %dma_wait3A_468 = arith.constant 0 : i32
    %dma_wait3A_469 = tpu.memref_slice %arg2[%add3A_465, %dma_wait3A_468] : memref<320000x128xf32, #tpu.memory_space<hbm>> -> memref<80x128xf32, #tpu.memory_space<hbm>>
    tpu.wait_dma2 semaphore(%arg12 : memref<!tpu.dma_semaphore, #tpu.memory_space<semaphore_mem>>) src(%dma_wait3A_469 : memref<80x128xf32, #tpu.memory_space<hbm>>) dst(%arg8 : memref<80x128xf32, #tpu.memory_space<vmem>>)
    %mul3A_470 = arith.constant 10000 : i32
    %mul3A_471 = arith.muli %add3A, %mul3A_470 : i32
    %add3A_472 = arith.constant 9920 : i32
    %add3A_473 = arith.addi %mul3A_471, %add3A_472 : i32
    %dma_wait3A_474 = arith.constant 1 : i32
    %dma_wait3A_475 = arith.constant 0 : i32
    %dma_wait3A_476 = tpu.memref_slice %arg6[%dma_wait3A_474, %dma_wait3A_475] : memref<3x80xi32, #tpu.memory_space<vmem>> -> memref<1x80xi32, #tpu.memory_space<vmem>>
    %dma_wait3A_477 = tpu.memref_squeeze %dma_wait3A_476 : memref<1x80xi32, #tpu.memory_space<vmem>> -> memref<80xi32, #tpu.memory_space<vmem>>
    %dma_wait3A_478 = tpu.memref_slice %arg3[%add3A_473] : memref<320000xi32, #tpu.memory_space<hbm>> -> memref<80xi32, #tpu.memory_space<hbm>>
    %dma_wait3A_479 = arith.constant 0 : i32
    %dma_wait3A_480 = tpu.memref_slice %arg6[%dma_wait3A_474, %dma_wait3A_479] : memref<3x80xi32, #tpu.memory_space<vmem>> -> memref<1x80xi32, #tpu.memory_space<vmem>>
    %dma_wait3A_481 = tpu.memref_squeeze %dma_wait3A_480 : memref<1x80xi32, #tpu.memory_space<vmem>> -> memref<80xi32, #tpu.memory_space<vmem>>
    %dma_wait3A_482 = tpu.memref_slice %arg3[%add3A_473] : memref<320000xi32, #tpu.memory_space<hbm>> -> memref<80xi32, #tpu.memory_space<hbm>>
    tpu.wait_dma2 semaphore(%arg12 : memref<!tpu.dma_semaphore, #tpu.memory_space<semaphore_mem>>) src(%dma_wait3A_482 : memref<80xi32, #tpu.memory_space<hbm>>) dst(%dma_wait3A_481 : memref<80xi32, #tpu.memory_space<vmem>>)
    %dma_start3A_483 = arith.constant 1 : i32
    %dma_start3A_484 = arith.constant 0 : i32
    %dma_start3A_485 = tpu.memref_slice %arg6[%dma_start3A_483, %dma_start3A_484] : memref<3x80xi32, #tpu.memory_space<vmem>> -> memref<1x80xi32, #tpu.memory_space<vmem>>
    %dma_start3A_486 = tpu.memref_squeeze %dma_start3A_485 : memref<1x80xi32, #tpu.memory_space<vmem>> -> memref<80xi32, #tpu.memory_space<vmem>>
    %dma_start3A_487 = arith.constant 0 : i32
    %dma_start3A_488 = arith.constant 0 : i32
    %dma_start3A_489 = tpu.memref_slice %arg17[%dma_start3A_487, %dma_start3A_488] : memref<10240x128xf32, #tpu.memory_space<vmem_shared>> -> memref<10240x128xf32, #tpu.memory_space<vmem_shared>>
    tpu.enqueue_indirect_dma source(%arg8 : memref<80x128xf32, #tpu.memory_space<vmem>>) target(%dma_start3A_489 : memref<10240x128xf32, #tpu.memory_space<vmem_shared>>) offsets(%dma_start3A_486 : memref<80xi32, #tpu.memory_space<vmem>>) semaphore(%arg15 : memref<!tpu.dma_semaphore, #tpu.memory_space<semaphore_mem>>) {add = true}
    %get3A_490 = arith.constant 1 : i32
    %get3A_491 = arith.index_cast %get3A_490 : i32 to index
    %get3A_492 = arith.constant 0 : index
    %get3A_493 = tpu.vector_load %arg6[%get3A_491, %get3A_492] {strides = array<i32>} : memref<3x80xi32, #tpu.memory_space<vmem>>, vector<16xi32>,
    tpu.vector_store_idx %arg10[%get3A_493], %broadcast_in_dim3A_138 {add = true} : memref<10240xf32, #tpu.memory_space<vmem>>[vector<16xi32>], vector<16xf32>,
    %get3A_494 = arith.constant 1 : i32
    %get3A_495 = arith.index_cast %get3A_494 : i32 to index
    %get3A_496 = arith.constant 16 : index
    %get3A_497 = tpu.vector_load %arg6[%get3A_495, %get3A_496] {strides = array<i32>} : memref<3x80xi32, #tpu.memory_space<vmem>>, vector<16xi32>,
    tpu.vector_store_idx %arg10[%get3A_497], %broadcast_in_dim3A_138 {add = true} : memref<10240xf32, #tpu.memory_space<vmem>>[vector<16xi32>], vector<16xf32>,
    %get3A_498 = arith.constant 1 : i32
    %get3A_499 = arith.index_cast %get3A_498 : i32 to index
    %get3A_500 = arith.constant 32 : index
    %get3A_501 = tpu.vector_load %arg6[%get3A_499, %get3A_500] {strides = array<i32>} : memref<3x80xi32, #tpu.memory_space<vmem>>, vector<16xi32>,
    tpu.vector_store_idx %arg10[%get3A_501], %broadcast_in_dim3A_138 {add = true} : memref<10240xf32, #tpu.memory_space<vmem>>[vector<16xi32>], vector<16xf32>,
    %get3A_502 = arith.constant 1 : i32
    %get3A_503 = arith.index_cast %get3A_502 : i32 to index
    %get3A_504 = arith.constant 48 : index
    %get3A_505 = tpu.vector_load %arg6[%get3A_503, %get3A_504] {strides = array<i32>} : memref<3x80xi32, #tpu.memory_space<vmem>>, vector<16xi32>,
    tpu.vector_store_idx %arg10[%get3A_505], %broadcast_in_dim3A_138 {add = true} : memref<10240xf32, #tpu.memory_space<vmem>>[vector<16xi32>], vector<16xf32>,
    %get3A_506 = arith.constant 1 : i32
    %get3A_507 = arith.index_cast %get3A_506 : i32 to index
    %get3A_508 = arith.constant 64 : index
    %get3A_509 = tpu.vector_load %arg6[%get3A_507, %get3A_508] {strides = array<i32>} : memref<3x80xi32, #tpu.memory_space<vmem>>, vector<16xi32>,
    tpu.vector_store_idx %arg10[%get3A_509], %broadcast_in_dim3A_138 {add = true} : memref<10240xf32, #tpu.memory_space<vmem>>[vector<16xi32>], vector<16xf32>,
    %dma_wait3A_510 = arith.constant 0 : i32
    %dma_wait3A_511 = arith.constant 0 : i32
    %dma_wait3A_512 = tpu.memref_slice %arg6[%dma_wait3A_510, %dma_wait3A_511] : memref<3x80xi32, #tpu.memory_space<vmem>> -> memref<1x80xi32, #tpu.memory_space<vmem>>
    %dma_wait3A_513 = tpu.memref_squeeze %dma_wait3A_512 : memref<1x80xi32, #tpu.memory_space<vmem>> -> memref<80xi32, #tpu.memory_space<vmem>>
    %dma_wait3A_514 = arith.constant 0 : i32
    %dma_wait3A_515 = arith.constant 0 : i32
    %dma_wait3A_516 = tpu.memref_slice %arg17[%dma_wait3A_514, %dma_wait3A_515] : memref<10240x128xf32, #tpu.memory_space<vmem_shared>> -> memref<10240x128xf32, #tpu.memory_space<vmem_shared>>
    tpu.wait_indirect_dma semaphore(%arg14 : memref<!tpu.dma_semaphore, #tpu.memory_space<semaphore_mem>>) src(%arg7 : memref<80x128xf32, #tpu.memory_space<vmem>>) dst(%dma_wait3A_516 : memref<10240x128xf32, #tpu.memory_space<vmem_shared>>)
    %dma_wait3A_517 = arith.constant 1 : i32
    %dma_wait3A_518 = arith.constant 0 : i32
    %dma_wait3A_519 = tpu.memref_slice %arg6[%dma_wait3A_517, %dma_wait3A_518] : memref<3x80xi32, #tpu.memory_space<vmem>> -> memref<1x80xi32, #tpu.memory_space<vmem>>
    %dma_wait3A_520 = tpu.memref_squeeze %dma_wait3A_519 : memref<1x80xi32, #tpu.memory_space<vmem>> -> memref<80xi32, #tpu.memory_space<vmem>>
    %dma_wait3A_521 = arith.constant 0 : i32
    %dma_wait3A_522 = arith.constant 0 : i32
    %dma_wait3A_523 = tpu.memref_slice %arg17[%dma_wait3A_521, %dma_wait3A_522] : memref<10240x128xf32, #tpu.memory_space<vmem_shared>> -> memref<10240x128xf32, #tpu.memory_space<vmem_shared>>
    tpu.wait_indirect_dma semaphore(%arg15 : memref<!tpu.dma_semaphore, #tpu.memory_space<semaphore_mem>>) src(%arg8 : memref<80x128xf32, #tpu.memory_space<vmem>>) dst(%dma_wait3A_523 : memref<10240x128xf32, #tpu.memory_space<vmem_shared>>)
    %dma_start3A_524 = arith.constant 0 : i32
    %dma_start3A_525 = tpu.memref_slice %arg5[%add3A, %dma_start3A_524] : memref<32x10240xf32, #tpu.memory_space<hbm>> -> memref<1x10240xf32, #tpu.memory_space<hbm>>
    %dma_start3A_526 = tpu.memref_squeeze %dma_start3A_525 : memref<1x10240xf32, #tpu.memory_space<hbm>> -> memref<10240xf32, #tpu.memory_space<hbm>>
    %dma_start3A_527 = arith.constant 0 : i32
    %dma_start3A_528 = tpu.memref_slice %arg5[%add3A, %dma_start3A_527] : memref<32x10240xf32, #tpu.memory_space<hbm>> -> memref<1x10240xf32, #tpu.memory_space<hbm>>
    %dma_start3A_529 = tpu.memref_squeeze %dma_start3A_528 : memref<1x10240xf32, #tpu.memory_space<hbm>> -> memref<10240xf32, #tpu.memory_space<hbm>>
    tpu.enqueue_dma source(%arg10 : memref<10240xf32, #tpu.memory_space<vmem>>) target(%dma_start3A_529 : memref<10240xf32, #tpu.memory_space<hbm>>) target_semaphore(%arg11 : memref<!tpu.dma_semaphore, #tpu.memory_space<semaphore_mem>>)
    %barrier3A_530 = arith.constant 0 : index
    tpu.barrier barrier_id(%barrier3A_530)
    %mul3A_531 = arith.constant 640 : i32
    %mul3A_532 = arith.muli %arg1, %mul3A_531 : i32
    %mul3A_533 = arith.constant 640 : i32
    %mul3A_534 = arith.muli %arg1, %mul3A_533 : i32
    "tpu.region"() ({
      %run_scoped3A = tpu.sem_alloc : memref<!tpu.dma_semaphore, #tpu.memory_space<semaphore_mem>>
      %dma_start3A_541 = arith.constant 0 : i32
      %dma_start3A_542 = tpu.memref_slice %arg4[%arg0, %mul3A_534, %dma_start3A_541] : memref<2x10240x128xf32, #tpu.memory_space<hbm>> -> memref<1x640x128xf32, #tpu.memory_space<hbm>>
      %dma_start3A_543 = tpu.memref_squeeze %dma_start3A_542 : memref<1x640x128xf32, #tpu.memory_space<hbm>> -> memref<640x128xf32, #tpu.memory_space<hbm>>
      %dma_start3A_544 = arith.constant 0 : i32
      %dma_start3A_545 = tpu.memref_slice %arg17[%mul3A_532, %dma_start3A_544] : memref<10240x128xf32, #tpu.memory_space<vmem_shared>> -> memref<640x128xf32, #tpu.memory_space<vmem_shared>>
      tpu.enqueue_dma source(%dma_start3A_545 : memref<640x128xf32, #tpu.memory_space<vmem_shared>>) target(%dma_start3A_543 : memref<640x128xf32, #tpu.memory_space<hbm>>) target_semaphore(%run_scoped3A : memref<!tpu.dma_semaphore, #tpu.memory_space<semaphore_mem>>)
      %dma_wait3A_546 = arith.constant 0 : i32
      %dma_wait3A_547 = tpu.memref_slice %arg4[%arg0, %mul3A_534, %dma_wait3A_546] : memref<2x10240x128xf32, #tpu.memory_space<hbm>> -> memref<1x640x128xf32, #tpu.memory_space<hbm>>
      %dma_wait3A_548 = tpu.memref_squeeze %dma_wait3A_547 : memref<1x640x128xf32, #tpu.memory_space<hbm>> -> memref<640x128xf32, #tpu.memory_space<hbm>>
      %dma_wait3A_549 = arith.constant 0 : i32
      %dma_wait3A_550 = tpu.memref_slice %arg17[%mul3A_532, %dma_wait3A_549] : memref<10240x128xf32, #tpu.memory_space<vmem_shared>> -> memref<640x128xf32, #tpu.memory_space<vmem_shared>>
      tpu.wait_dma2 semaphore(%run_scoped3A : memref<!tpu.dma_semaphore, #tpu.memory_space<semaphore_mem>>) src(%dma_wait3A_550 : memref<640x128xf32, #tpu.memory_space<vmem_shared>>) dst(%dma_wait3A_548 : memref<640x128xf32, #tpu.memory_space<hbm>>)
      tpu.yield
    }) : () -> ()
    %dma_wait3A_535 = arith.constant 0 : i32
    %dma_wait3A_536 = tpu.memref_slice %arg5[%add3A, %dma_wait3A_535] : memref<32x10240xf32, #tpu.memory_space<hbm>> -> memref<1x10240xf32, #tpu.memory_space<hbm>>
    %dma_wait3A_537 = tpu.memref_squeeze %dma_wait3A_536 : memref<1x10240xf32, #tpu.memory_space<hbm>> -> memref<10240xf32, #tpu.memory_space<hbm>>
    %dma_wait3A_538 = arith.constant 0 : i32
    %dma_wait3A_539 = tpu.memref_slice %arg5[%add3A, %dma_wait3A_538] : memref<32x10240xf32, #tpu.memory_space<hbm>> -> memref<1x10240xf32, #tpu.memory_space<hbm>>
    %dma_wait3A_540 = tpu.memref_squeeze %dma_wait3A_539 : memref<1x10240xf32, #tpu.memory_space<hbm>> -> memref<10240xf32, #tpu.memory_space<hbm>>
    tpu.wait_dma2 semaphore(%arg11 : memref<!tpu.dma_semaphore, #tpu.memory_space<semaphore_mem>>) src(%arg10 : memref<10240xf32, #tpu.memory_space<vmem>>) dst(%dma_wait3A_540 : memref<10240xf32, #tpu.memory_space<hbm>>)
    return
  }
}

module attributes {stable_mosaic.version = 14 : i64} {
  func.func @_combine_body(%arg0: memref<2x10240x128xf32, #tpu.memory_space<vmem>>, %arg1: memref<32x10240xf32, #tpu.memory_space<vmem>>, %arg2: memref<10000x128xf32, #tpu.memory_space<vmem>>) attributes {dimension_semantics = [], scalar_prefetch = 0 : i64, scratch_operands = 0 : i64, tpu.core_type = #tpu.core_type<tc>} {
    %get3A = arith.constant 0 : index
    %get3A_0 = arith.constant 0 : index
    %get3A_1 = arith.constant 0 : index
    %get3A_2 = vector.load %arg0[%get3A, %get3A_0, %get3A_1] : memref<2x10240x128xf32, #tpu.memory_space<vmem>>, vector<1x10000x128xf32>
    %get3A_3 = vector.shape_cast %get3A_2 : vector<1x10000x128xf32> to vector<10000x128xf32>
    %get3A_4 = arith.constant 1 : index
    %get3A_5 = arith.constant 0 : index
    %get3A_6 = arith.constant 0 : index
    %get3A_7 = vector.load %arg0[%get3A_4, %get3A_5, %get3A_6] : memref<2x10240x128xf32, #tpu.memory_space<vmem>>, vector<1x10000x128xf32>
    %get3A_8 = vector.shape_cast %get3A_7 : vector<1x10000x128xf32> to vector<10000x128xf32>
    %add3A = arith.addf %get3A_3, %get3A_8 : vector<10000x128xf32>
    %get3A_9 = arith.constant 0 : index
    %get3A_10 = arith.constant 0 : index
    %get3A_11 = vector.load %arg1[%get3A_9, %get3A_10] : memref<32x10240xf32, #tpu.memory_space<vmem>>, vector<32x10000xf32>
    %reduce_sum3A = arith.constant dense<0.000000e+00> : vector<10000xf32>
    %reduce_sum3A_12 = vector.multi_reduction <add>, %get3A_11, %reduce_sum3A [0] : vector<32x10000xf32> to vector<10000xf32>
    %broadcast_in_dim3A = vector.shape_cast %reduce_sum3A_12 : vector<10000xf32> to vector<10000x1xf32>
    %gt3A = arith.constant 0.000000e+00 : f32
    %gt3A_13 = vector.broadcast %gt3A : f32 to vector<10000x1xf32>
    %gt3A_14 = arith.cmpf ogt, %broadcast_in_dim3A, %gt3A_13 : vector<10000x1xf32>
    %max3A = arith.constant 1.000000e+00 : f32
    %max3A_15 = vector.broadcast %max3A : f32 to vector<10000x1xf32>
    %max3A_16 = arith.maximumf %broadcast_in_dim3A, %max3A_15 : vector<10000x1xf32>
    %div3A = vector.broadcast %max3A_16 : vector<10000x1xf32> to vector<10000x128xf32>
    %div3A_17 = arith.divf %add3A, %div3A : vector<10000x128xf32>
    %broadcast_in_dim3A_18 = arith.constant 0.000000e+00 : f32
    %broadcast_in_dim3A_19 = vector.broadcast %broadcast_in_dim3A_18 : f32 to vector<10000x128xf32>
    %broadcast_in_dim3A_20 = vector.shape_cast %gt3A_14 : vector<10000x1xi1> to vector<10000x1xi1>
    %broadcast_in_dim3A_21 = vector.broadcast %broadcast_in_dim3A_20 : vector<10000x1xi1> to vector<10000x128xi1>
    %select_n3A = arith.select %broadcast_in_dim3A_21, %div3A_17, %broadcast_in_dim3A_19 : vector<10000x128xi1>, vector<10000x128xf32>
    %swap3A = arith.constant 0 : index
    %swap3A_22 = arith.constant 0 : index
    %swap3A_23 = vector.load %arg2[%swap3A, %swap3A_22] : memref<10000x128xf32, #tpu.memory_space<vmem>>, vector<10000x128xf32>
    tpu.vector_store %arg2[%swap3A, %swap3A_22], %select_n3A {strides = array<i32>} : memref<10000x128xf32, #tpu.memory_space<vmem>>, vector<10000x128xf32>,
    return
  }
}

</mosaic_0001>

<sc_bundles>
// kernel: kernel.4.cloned.1.call-start
scs
__scs_entry_jumppad:
0x0: {  	(pc) =	sbr.rel $0x88, $3  }
0x1: {  	(tag) =	ssettag $0x0;
	lr =	simm.s32 $0x1  }
0x2: {  	[smem:$0x3F9F] =	sst lr;
	_ =	strace $0xD0000000  }
0x3: {  	_ = 	snop  }
0x4: {  	_ = 	snop  }
0x5: {  	_ = 	snop  }
0x6: {  	_ = 	snop  }
0x7: {  	_ = 	snop  }
__scs_overlays_trampoline_lowered:
0x8: {  	[smem:$0x3FAE] =	sst s0  }
0x9: {  	[smem:$0x3FAF] =	sst s1  }
0xa: {  	[smem:$0x3FB0] =	sst s2  }
0xb: {  	[smem:$0x3FB1] =	sst s3  }
0xc: {  	[smem:$0x3FB2] =	sst s4  }
0xd: {  	[smem:$0x3FB3] =	sst s5  }
0xe: {  	[smem:$0x3FB4] =	sst s6  }
0xf: {  	[smem:$0x3FB5] =	sst s7  }
0x10: {  	[smem:$0x3FB6] =	sst s8  }
0x11: {  	[smem:$0x3FB7] =	sst s9;
	s0 =	simm.s32 @!p0 $0x0  }
0x12: {  	s1 =	sld [smem:$0x3F9D];
	s0 =	simm.s32 @p0 $0x1  }
0x13: {  	[smem:$0x3FB8] =	sst s0;
	s0 =	simm.s32 @!p1 $0x0  }
0x14: {  	s2 =	sld [smem:$0x3F9C];
	s0 =	simm.s32 @p1 $0x1  }
0x15: {  	[smem:$0x3FB9] =	sst s0;
	s0 =	simm.s32 @!p2 $0x0  }
0x16: {  	s3 =	sld [smem:$0x3FDB];
	s0 =	simm.s32 @p2 $0x1  }
0x17: {  	s4 =	simm.s32 $0x1BF5;
	[smem:$0x3FBB] =	sst s0  }
0x18: {  	s0 =	sld [smem:$0x3F9E];
	_ =	swait.ge [sflag:s4], $0x0  }
0x19: {  	s7 =	sld [smem:$0x3F9F]  }
0x1a: {  	s8 =	sadd.s32 $0xFFFFE003, lr  }
0x1b: {  	s9 =	sadd.s32 $0xFFFFFEF7, lr;
	s5 =	simm.s32 $0xFFFFFFFF;
	p2 =	slt.u32 s8, $0xFFFFF086  }
0x1c: {  	p1 =	slt.u32 s9, $0xF7A;
	s5 =	simm.s32 @!p2 $0x0  }
0x1d: {  	s5 =	simm.s32 @p1 $0x1;
	p0 =	seq.s32 s7, s2  }
0x1e: {  	s7 =	smul.u32 @!p0 $0xF7A, s2;
	p2 =	seq.s32 @!p0 s5, $0x0  }
0x1f: {  	s9 =	smul.u32 $0xF7A, s1;
	s8 =	simm.s32 @!p0 $0x1BF5;
	p2 =	por !p2, p0  }
0x20: {  	[sflag:s8] =	ssyncset.s32 @!p0 $0xFFFFF086;
	s6 =	sadd.s32 @!p0 s3, s7;
	s7 =	simm.s32 @!p0 $0x108  }
0x21: {  	s3 =	sadd.s32 s3, s9;
	s6 =	sadd.s32 @!p0 $0x88, s6;
	s7 =	simm.s32 @p2 $0x1082  }
0x22: {  	[simem:s7], [sflag:s8] =	dma.local @!p0 [hbm:s6], $0xF7A  }
0x23: {  	s9 =	sor.u32 $0xD0000000, s2;
	s6 =	simm.s32 $0x108;
	_ =	swait.ge @!p0 [sflag:s8], $0x0  }
0x24: {  	s3 =	sadd.s32 $0x88, s3;
	s6 =	simm.s32 @!p1 $0x1082;
	[sflag:s4] =	ssyncset.s32 $0xFFFFF086  }
0x25: {  	[simem:s6], [sflag:s4] =	dma.local [hbm:s3], $0xF7A  }
0x26: {  	[smem:$0x3F9F] =	sst s1;
	(tag) =	ssettag s2;
	_ =	strace s9  }
0x27: {  	s1 =	sld [smem:$0x3FAF]  }
0x28: {  	s2 =	sld [smem:$0x3FB0]  }
0x29: {  	s4 =	sld [smem:$0x3FB2]  }
0x2a: {  	p0 =	seq.s32 s5, $0x0;
	s5 =	sld [smem:$0x3FB3]  }
0x2b: {  	s6 =	sld [smem:$0x3FB4]  }
0x2c: {  	s7 =	sld [smem:$0x3FB5]  }
0x2d: {  	s3 =	simm.s32 $0x108;
	s8 =	sld [smem:$0x3FB6]  }
0x2e: {  	s3 =	simm.s32 @!p0 $0x1082;
	s9 =	sld [smem:$0x3FB7]  }
0x2f: {  	lr =	sadd.s32 s0, s3;
	s0 =	sld [smem:$0x3FAE]  }
0x30: {  	s3 =	sld [smem:$0x3FB1]  }
0x31: {  	[smem:$0x3FBA] =	sst s10  }
0x32: {  	s10 =	sld [smem:$0x3FB8];
	_ =	sdelay $0x3  }
0x33: {  	p0 =	seq.s32 s10, $0x1;
	s10 =	sld [smem:$0x3FBA];
	_ =	sdelay $0x3  }
0x34: {  	[smem:$0x3FBA] =	sst s10  }
0x35: {  	s10 =	sld [smem:$0x3FB9];
	_ =	sdelay $0x3  }
0x36: {  	p1 =	seq.s32 s10, $0x1;
	s10 =	sld [smem:$0x3FBA];
	_ =	sdelay $0x3  }
0x37: {  	[smem:$0x3FBA] =	sst s10  }
0x38: {  	s10 =	sld [smem:$0x3FBB]  }
0x39: {  	_ = 	snop;
	(pc) =	sbr.ind lr, $3  }
0x3a: {  	_ = 	snop  }
0x3b: {  	_ = 	snop  }
0x3c: {  	p2 =	seq.s32 s10, $0x1;
	s10 =	sld [smem:$0x3FBA]  }
0x3d: {  	_ =	shalt  }
0x3e: {  	_ =	shalt  }
0x3f: {  	_ =	shalt  }
0x40: {  	_ =	shalt  }
0x41: {  	_ =	shalt  }
0x42: {  	_ =	shalt  }
0x43: {  	_ =	shalt  }
0x44: {  	_ =	shalt  }
0x45: {  	_ =	shalt  }
0x46: {  	_ =	shalt  }
0x47: {  	_ =	shalt  }
0x48: {  	_ =	shalt  }
0x49: {  	_ =	shalt  }
0x4a: {  	_ =	shalt  }
0x4b: {  	_ =	shalt  }
0x4c: {  	_ =	shalt  }
0x4d: {  	_ =	shalt  }
0x4e: {  	_ =	shalt  }
0x4f: {  	_ =	shalt  }
0x50: {  	_ =	shalt  }
0x51: {  	_ =	shalt  }
0x52: {  	_ =	shalt  }
0x53: {  	_ =	shalt  }
0x54: {  	_ =	shalt  }
0x55: {  	_ =	shalt  }
0x56: {  	_ =	shalt  }
0x57: {  	_ =	shalt  }
0x58: {  	_ =	shalt  }
0x59: {  	_ =	shalt  }
0x5a: {  	_ =	shalt  }
0x5b: {  	_ =	shalt  }
0x5c: {  	_ =	shalt  }
0x5d: {  	_ =	shalt  }
0x5e: {  	_ =	shalt  }
0x5f: {  	_ =	shalt  }
0x60: {  	_ =	shalt  }
0x61: {  	_ =	shalt  }
0x62: {  	_ =	shalt  }
0x63: {  	_ =	shalt  }
0x64: {  	_ =	shalt  }
0x65: {  	_ =	shalt  }
0x66: {  	_ =	shalt  }
0x67: {  	_ =	shalt  }
0x68: {  	_ =	shalt  }
0x69: {  	_ =	shalt  }
0x6a: {  	_ =	shalt  }
0x6b: {  	_ =	shalt  }
0x6c: {  	_ =	shalt  }
0x6d: {  	_ =	shalt  }
0x6e: {  	_ =	shalt  }
0x6f: {  	_ =	shalt  }
0x70: {  	_ =	shalt  }
0x71: {  	_ =	shalt  }
0x72: {  	_ =	shalt  }
0x73: {  	_ =	shalt  }
0x74: {  	_ =	shalt  }
0x75: {  	_ =	shalt  }
0x76: {  	_ =	shalt  }
0x77: {  	_ =	shalt  }
0x78: {  	_ =	shalt  }
0x79: {  	_ =	shalt  }
0x7a: {  	_ =	shalt  }
0x7b: {  	_ =	shalt  }
0x7c: {  	_ =	shalt  }
0x7d: {  	_ =	shalt  }
0x7e: {  	_ =	shalt  }
0x7f: {  	_ =	shalt  }
0x80: {  	_ =	shalt  }
0x81: {  	_ =	shalt  }
0x82: {  	_ =	shalt  }
0x83: {  	_ =	shalt  }
0x84: {  	_ =	shalt  }
0x85: {  	_ =	shalt  }
0x86: {  	_ =	shalt  }
0x87: {  	_ =	shalt  }
.Lfunc_end0:
.L_simem_size_0:
called_computation_lowered:
.L_overlay_start_0:
0x88: {  	s2 =	sld [smem:$0x3FD9]  }
0x89: {  	s3 =	sld [smem:$0x3FFE];
	_ =	sdelay $0x1  }
0x8a: {  	s1 =	srdreg.scid  }
0x8b: {  	s0 =	sand.u32 $0x1, s1  }
0x8c: {  	s17 =	sshll.u32 s0, $0xA;
	s2 =	sadd.s32 s3, s2  }
0x8d: {  	s2 =	sadd.s32 s2, s17  }
0x8e: {  	[smem:$0x3FC6] =	sst s2  }
0x8f: {  	_ = 	snop  }
0x90: {  	s2 =	sld [smem:$0x3FC9]  }
0x91: {  	s18 =	sld [smem:$0x3FC8]  }
0x92: {  	s4 =	sld [smem:$0x3FD0];
	(tm) =	ssettm $0x1  }
0x93: {  	s5 =	sld [smem:$0x3FFB];
	_ =	sdelay $0x3  }
0x94: {  	_ =	strace s5  }
0x95: {  	s5 =	sld [smem:$0x3FFC];
	_ =	sdelay $0x3  }
0x96: {  	_ =	strace s5  }
0x97: {  	s5 =	sld [smem:$0x3FFD];
	_ =	sdelay $0x3  }
0x98: {  	_ =	strace s5  }
0x99: {  	_ =	strace $0x8FFFFFFF  }
0x9a: {  	s19 =	sld [smem:$0x3FDB];
	_ =	sdelay $0x1  }
0x9b: {  	s6 =	simm.s32 $_scs_section_size  }
0x9c: {  	s7 =	simm.s32 $_size__tile_overlayer_lowered;
	s8 =	simm.s32 $_tile_overlayer_lowered  }
0x9d: {  	s22 =	simm.s32 $0x1BFF;
	s21 =	sshll.u32 s8, $0x1;
	s5 =	sadd.s32 s6, s19  }
0x9e: {  	s9 =	simm.s32 $0x0;
	s20 =	sshll.u32 s7, $0x1;
	s7 =	sadd.s32 s21, s5  }
0x9f: {  	[timem:s9], [sflag:s22] =	dma.local [hbm:s7], s20  }
0xa0: {  	_ =	swait.ge [sflag:s22], s20  }
0xa1: {  	s6 =	ssub.s32 $0x0, s20;
	[sflag:s22] =	ssyncset.done $0x0  }
0xa2: {  	[sflag:s22] =	ssyncadd.s32 s6;
	_ =	sdelay $0x1  }
0xa3: {  	s23 =	simm.s32 $0x1B8B  }
0xa4: {  	_ =	swait.ge [sflag:s23], $0x1  }
0xa5: {  	[sflag:s23] =	ssyncset.done $0x0  }
0xa6: {  	s25 =	simm.s32 $0x1B8E;
	s24 =	sld [smem:$0x3FFE];
	[sflag:s23] =	ssyncadd.s32 $0xFFFFFFFF  }
0xa7: {  	s26 =	simm.s32 $execute0_lowered;
	[smem:$0x3FD2] =	sst s25  }
0xa8: {  	s7 =	sshll.u32 s26, $0x1;
	_ =	strace $0x80000046;
	[dreg:$0x1] =	wrdreg $0xFFFFFFFF  }
0xa9: {  	s28 =	simm.s32 $_size_execute0_lowered;
	s5 =	sadd.s32 s5, s7;
	[dreg:$0x0] =	wrdreg $0x0  }
0xaa: {  	s7 =	sshll.u32 s28, $0x1;
	[dreg:$0x2] =	wrdreg s5  }
0xab: {  	[dreg:$0x3] =	wrdreg s7  }
0xac: {  	[dreg:$0x4] =	wrdreg $0xC0  }
0xad: {  	_ =	task [dreg:s9], $0x5FFFF  }
0xae: {  	[dreg:$0x1] =	wrdreg $0xFFFFFFFF  }
0xaf: {  	[dreg:$0x0] =	wrdreg $0x60  }
0xb0: {  	[dreg:$0x2] =	wrdreg s2  }
0xb1: {  	[dreg:$0x3] =	wrdreg s18  }
0xb2: {  	[dreg:$0x4] =	wrdreg s24  }
0xb3: {  	[dreg:$0x5] =	wrdreg s4  }
0xb4: {  	[dreg:$0x6] =	wrdreg $0xA2000  }
0xb5: {  	[dreg:$0x7] =	wrdreg $0x9  }
0xb6: {  	_ =	task.clear_ibuf [dreg:s9], $0x8FFFF;
	_ =	strace $0x90000046  }
0xb7: {  	s29 =	simm.s32 $0x9;
	_ =	strace $0x80000048  }
0xb8: {  	_ =	swait.ge [sflag:s29], $0x1  }
0xb9: {  	[sflag:s29] =	ssyncadd.s32 $0xFFFFFFFF  }
0xba: {  	_ =	strace $0x90000048  }
0xbb: {  	_ =	sfence  }
0xbc: {  	s30 =	sld [smem:$0x0];
	_ =	sdelay $0x2  }
0xbd: {  	s31 =	sshll.u32 s1, $0xD;
	s1 =	sshrl.u32 s1, $0x2  }
0xbe: {  	s3 =	sand.u32 $0x4000, s31;
	s1 =	sadd.s32 s1, s30  }
0xbf: {  	s0 =	sor.u32 s3, s0;
	s1 =	sshll.u32 s1, $0x11  }
0xc0: {  	s0 =	sor.u32 s1, s0  }
0xc1: {  	s0 =	sadd.s32 $0x8F2B, s0  }
0xc2: {  	[sflag:s0] =	ssyncadd.remote.s32 $0x1  }
0xc3: {  	_ =	sfence.sel $0xFFFF  }
0xc4: {  	[dreg:$0x0] =	wrdreg $0xFFFFFFFF;
	(pc) =	sbr.abs _section_cstart, $3  }
0xc5: {  	[dreg:$0x1] =	wrdreg $0xFFFFFFFF  }
0xc6: {  	_ =	task.clear_ibuf [dreg:s9], $0x2FFFF;
	_ =	strace $0x9FFFFFFF  }
0xc7: {  	(tm) =	ssettm $0x7FFFFFFF  }
tec
execute0_lowered:
.L_overlay_start_1:
0x0: {  	(tag) =	ssettag $0x1  }
0x1: {  	s1 =	rddreg [dreg:$0x0]  }
0x2: {  	s0 =	rddreg [dreg:$0x1]  }
0x3: {  	s2 =	rddreg [dreg:$0x2]  }
0x4: {  	s6 =	rddreg [dreg:$0x3];
	s14 =	stileid.u32  }
0x5: {  	s4 =	srdreg.scid;
	s8 =	smul.u32 $0x14000, s14  }
0x6: {  	s3 =	rddreg [dreg:$0x4];
	s7 =	sand.u32 $0x1, s4;
	s9 =	smul.u32 $0x50000, s14  }
0x7: {  	s31 =	simm.s32 $0x200;
	s4 =	simm.s32 $0x0;
	s5 =	smul.u32 $0x140000, s7  }
0x8: {  	[smem:$0x7FF] =	sst s4;
	s16 =	sshll.u32 s7, $0x4;
	s17 =	ssub.s32 $0x2, s7  }
0x9: {  	_ =	strace $0x80000047;
	s10 =	sshrl.u32 s17, $0x1;
	s9 =	sshrl.u32 s9, $0x2  }
0xa: {  	s5 =	sadd.s32 s8, s5;
	s8 =	sor.u32 s14, s16;
	s10 =	ssub.s32 s17, s10  }
0xb: {  	s16 =	sshll.u32 s14, $0x7;
	s5 =	sshrl.u32 s5, $0x3;
	s11 =	smul.u32 $0x2710, s8  }
0xc: {  	s18 =	smul.u32 $0x27100, s8;
	s8 =	sshrl.u32 s8, $0x3;
	s17 =	sand.u32 $0x380, s16  }
0xd: {  	s16 =	simm.s32 $0x7;
	s2 =	sadd.s32 s5, s2;
	s5 =	sadd.s32 s9, s3  }
0xe: {  	s8 =	smul.u32 $0x14000, s8;
	s12 =	sadd.s32 $0x2800, s5;
	s19 =	sadd.s32 $0x5000, s5  }
0xf: {  	s20 =	sadd.s32 $0x7800, s5;
	s9 =	sadd.s32 s1, s18;
	s21 =	sshrl.u32 s11, $0x3  }
0x10: {  	s22 =	sadd.s32 $0x50, s11;
	s18 =	smul.u32 $0x271000, s7;
	[dreg:$0x6] =	wrdreg s12  }
0x11: {  	s13 =	sadd.s32 $0xA0, s11;
	s7 =	smul.u32 $0x27100, s7;
	[dreg:$0x7] =	wrdreg s19  }
0x12: {  	s2 =	sadd.s32 $0xC00, s2;
	s28 =	sadd.s32 $0xC800, s5;
	[dreg:$0x8] =	wrdreg s20  }
0x13: {  	s29 =	sadd.s32 $0xF000, s5;
	s30 =	sadd.s32 $0x11800, s5;
	[dreg:$0x9] =	wrdreg s9  }
0x14: {  	s9 =	sadd.s32 s0, s21;
	s23 =	sshll.u32 s22, $0x4;
	s24 =	sshrl.u32 s22, $0x3  }
0x15: {  	s25 =	sshll.u32 s13, $0x4;
	s12 =	sshrl.u32 s13, $0x3;
	s13 =	sadd.s32 $0x2670, s11  }
0x16: {  	s11 =	sadd.s32 $0x26C0, s11;
	s8 =	sor.u32 s17, s8;
	s20 =	smul.u32 $0x2710, s14  }
0x17: {  	s22 =	smul.u32 $0x27100, s14;
	[dreg:$0x14] =	wrdreg s2;
	s2 =	simm.s32 $0x2A00  }
0x18: {  	s14 =	simm.s32 $0x5;
	[dreg:$0xa] =	wrdreg s9;
	s9 =	sadd.s32 s1, s23  }
0x19: {  	s17 =	simm.s32 $0x0;
	s26 =	sadd.s32 s1, s25;
	[dreg:$0xb] =	wrdreg s9  }
0x1a: {  	s15 =	sshll.u32 s13, $0x4;
	s25 =	smax.u32 s10, $0x1;
	[dreg:$0xd] =	wrdreg s26  }
0x1b: {  	s8 =	sshrl.u32 s8, $0x3;
	s9 =	sadd.s32 s0, s24;
	[dreg:$0x15] =	wrdreg s25  }
0x1c: {  	s21 =	sshrl.u32 s11, $0x3;
	s6 =	sadd.s32 s6, s8;
	[dreg:$0xc] =	wrdreg s9  }
0x1d: {  	s19 =	sshll.u32 s11, $0x4;
	s8 =	sadd.s32 s0, s21;
	[dreg:$0x11] =	wrdreg s6  }
0x1e: {  	s10 =	simm.s32 $0x5200;
	s26 =	sadd.s32 $0xA000, s5;
	[dreg:$0x13] =	wrdreg s8  }
0x1f: {  	s11 =	simm.s32 $0x100;
	s9 =	sadd.s32 s0, s12;
	[dreg:$0x17] =	wrdreg s26  }
0x20: {  	s12 =	sadd.s32 s1, s15;
	s6 =	sadd.s32 s20, s7;
	[dreg:$0xe] =	wrdreg s9  }
0x21: {  	s8 =	simm.s32 $0x50;
	s15 =	simm.s32 $0x6;
	[dreg:$0xf] =	wrdreg s12  }
0x22: {  	s9 =	sshrl.u32 s13, $0x3;
	s13 =	sadd.s32 s1, s19;
	s1 =	sadd.s32 s18, s1  }
0x23: {  	s23 =	sadd.s32 $0x190, s6;
	s7 =	sadd.s32 $0x140, s6;
	s19 =	sadd.s32 $0xF0, s6  }
0x24: {  	s6 =	simm.s32 $0x80;
	s12 =	simm.s32 $0x2;
	[dreg:$0x10] =	wrdreg s13  }
0x25: {  	s9 =	sadd.s32 s0, s9;
	s20 =	sadd.s32 s22, s1;
	s1 =	sshrl.u32 s23, $0x3  }
0x26: {  	s24 =	sshrl.u32 s7, $0x3;
	s7 =	simm.s32 $0x1;
	s13 =	simm.s32 $0x3  }
0x27: {  	[dreg:$0x12] =	wrdreg s9;
	s1 =	sadd.s32 s1, s0;
	s21 =	sadd.s32 s24, s0  }
0x28: {  	v0 =	vimm.f32 $0.0e+00;
	v1 =	vimm.f32 $1.000000000e+00;
	s9 =	simm.s32 $0x7A00;
	[dreg:$0x16] =	wrdreg s1;
	s1 =	simm.s32 $0x4  }
.LBB2_1:
0x29: {  	s18 =	sand.u32 $0xFE00, s4  }
0x2a: {  	s23 =	sand.u32 $0x70, s4;
	s24 =	sshrl.u32 s18, $0x2  }
0x2b: {  	s18 =	simm.s32 $0x40;
	s24 =	sor.u32 s23, s24;
	s23 =	simm.s32 $0x0  }
.LBB2_2:
0x2c: {  	p0 =	sne.s32 s18, $0x9FC0  }
0x2d: {  	[tilespmem:s24+$0x200] =	vst v0;
	s23 =	sadd.s32 $0x10, s23;
	s24 =	smov.u32 s18;
	s18 =	sadd.s32 $0x40, s18  }
.Ltmp0:
0x2e: {  	(pc) =	sbr.rel @p0 .LBB2_2-.Ltmp0, $4  }
0x2f: {  	_ = 	snop  }
0x30: {  	s24 =	sand.u32 $0xFE00, s24  }
0x31: {  	s25 =	sand.u32 $0x70, s23;
	s24 =	sshrl.u32 s24, $0x2  }
0x32: {  	s24 =	sor.u32 s25, s24  }
0x33: {  	[tilespmem:s24+$0x200] =	vst v0  }
0x34: {  	[spmem:s5] =	stream.linear.scatter [tilespmem:s31], [sflag:$0x4], $0x2800, $0x38;
	[tilespmem:$0x1E200] =	vst v63  }
0x35: {  	s18 =	rddreg [dreg:$0x6]  }
0x36: {  	[spmem:s18] =	stream.linear.scatter [tilespmem:s31], [sflag:$0x4], $0x2800, $0x38;
	[tilespmem:$0x1E200] =	vst v63  }
0x37: {  	s24 =	rddreg [dreg:$0x7]  }
0x38: {  	[spmem:s24] =	stream.linear.scatter [tilespmem:s31], [sflag:$0x4], $0x2800, $0x38;
	[tilespmem:$0x1E200] =	vst v63  }
0x39: {  	s25 =	rddreg [dreg:$0x8]  }
0x3a: {  	[spmem:s25] =	stream.linear.scatter [tilespmem:s31], [sflag:$0x4], $0x2800, $0x38;
	[tilespmem:$0x1E200] =	vst v63  }
0x3b: {  	s26 =	rddreg [dreg:$0x17]  }
0x3c: {  	[spmem:s26] =	stream.linear.scatter [tilespmem:s31], [sflag:$0x4], $0x2800, $0x38;
	[tilespmem:$0x1E200] =	vst v63  }
0x3d: {  	_ = 	snop  }
0x3e: {  	[spmem:s28] =	stream.linear.scatter [tilespmem:s31], [sflag:$0x4], $0x2800, $0x38;
	[tilespmem:$0x1E200] =	vst v63  }
0x3f: {  	_ = 	snop  }
0x40: {  	[spmem:s29] =	stream.linear.scatter [tilespmem:s31], [sflag:$0x4], $0x2800, $0x38;
	[tilespmem:$0x1E200] =	vst v63  }
0x41: {  	s23 =	simm.s32 $0x0;
	s18 =	simm.s32 $0x40  }
0x42: {  	[spmem:s30] =	stream.linear.scatter [tilespmem:s31], [sflag:$0x4], $0x2800, $0x38;
	[tilespmem:$0x1E200] =	vst v63  }
.LBB2_4:
0x43: {  	p0 =	sne.s32 s18, $0x9FC0;
	[tilespmem:s23+$0x7A00] =	vst v0;
	s23 =	smov.u32 s18;
	s18 =	sadd.s32 $0x40, s18  }
.Ltmp1:
0x44: {  	(pc) =	sbr.rel @p0 .LBB2_4-.Ltmp1, $2  }
0x45: {  	_ =	sdelay $0x2  }
0x46: {  	s23 =	sshra.s32 s23, $0x2  }
0x47: {  	[tilespmem:s23+$0x7A00] =	vst v0  }
0x48: {  	_ =	swait.ge [sflag:s1], $0x2800  }
0x49: {  	[sflag:s1] =	ssyncset.done $0x0  }
0x4a: {  	[sflag:s1] =	ssyncadd.s32 $0xFFFFD800  }
0x4b: {  	_ =	swait.ge [sflag:s1], $0x2800  }
0x4c: {  	[sflag:s1] =	ssyncset.done $0x0  }
0x4d: {  	[sflag:s1] =	ssyncadd.s32 $0xFFFFD800  }
0x4e: {  	_ =	swait.ge [sflag:s1], $0x2800  }
0x4f: {  	[sflag:s1] =	ssyncset.done $0x0  }
0x50: {  	[sflag:s1] =	ssyncadd.s32 $0xFFFFD800  }
0x51: {  	_ =	swait.ge [sflag:s1], $0x2800  }
0x52: {  	[sflag:s1] =	ssyncset.done $0x0  }
0x53: {  	[sflag:s1] =	ssyncadd.s32 $0xFFFFD800  }
0x54: {  	_ =	swait.ge [sflag:s1], $0x2800  }
0x55: {  	[sflag:s1] =	ssyncset.done $0x0  }
0x56: {  	[sflag:s1] =	ssyncadd.s32 $0xFFFFD800  }
0x57: {  	_ =	swait.ge [sflag:s1], $0x2800  }
0x58: {  	[sflag:s1] =	ssyncset.done $0x0  }
0x59: {  	[sflag:s1] =	ssyncadd.s32 $0xFFFFD800  }
0x5a: {  	_ =	swait.ge [sflag:s1], $0x2800  }
0x5b: {  	[sflag:s1] =	ssyncset.done $0x0  }
0x5c: {  	[sflag:s1] =	ssyncadd.s32 $0xFFFFD800  }
0x5d: {  	_ =	swait.ge [sflag:s1], $0x2800  }
0x5e: {  	[sflag:s1] =	ssyncset.done $0x0  }
0x5f: {  	[sflag:s1] =	ssyncadd.s32 $0xFFFFD800  }
0x60: {  	[bflag:$0x0] =	sbarrier.arrive $0xFFFF  }
0x61: {  	s18 =	simm.s32 $0x0;
	s22 =	rddreg [dreg:$0x9]  }
0x62: {  	[tilespmem:s31], [sflag:$0x1] =	stream.linear.gather [hbm4b:s22+s18], $0x2800, $0x38;
	[tilespmem:$0x1E200] =	vst v63  }
0x63: {  	s26 =	rddreg [dreg:$0xa]  }
0x64: {  	[tilespmem:s18], [sflag:$0x1] =	stream.linear.gather [hbm4b:s26+s18], $0x50, $0x38;
	[tilespmem:$0x1E200] =	vst v63  }
0x65: {  	s23 =	rddreg [dreg:$0xb]  }
0x66: {  	[tilespmem:s2], [sflag:$0x2] =	stream.linear.gather [hbm4b:s23+s18], $0x2800, $0x38;
	[tilespmem:$0x1E200] =	vst v63  }
0x67: {  	s24 =	rddreg [dreg:$0xc]  }
0x68: {  	[tilespmem:s6], [sflag:$0x2] =	stream.linear.gather [hbm4b:s24+s18], $0x50, $0x38;
	[tilespmem:$0x1E200] =	vst v63  }
0x69: {  	_ =	swait.ge [sflag:s7], $0x2800  }
0x6a: {  	[sflag:s7] =	ssyncset.done $0x0  }
0x6b: {  	[sflag:s7] =	ssyncadd.s32 $0xFFFFD800  }
0x6c: {  	_ =	swait.ge [sflag:s7], $0x50  }
0x6d: {  	[sflag:s7] =	ssyncset.done $0x0  }
0x6e: {  	[sflag:s7] =	ssyncadd.s32 $0xFFFFFFB0  }
0x6f: {  	[spmem:s3] =	stream.indirect.scatter.add.f32 [tilespmem:s31], [sflag:$0x4], $0x80, s18, s8, $0xb8;
	[tilespmem:$0x1E200] =	vst v63  }
0x70: {  	v2 =	vld [tilespmem:$0x0];
	_ =	sdelay $0x7  }
0x71: {  	[tilespmem:v2+s9+$0x0] =	vst.idx.add.f32.msk $0xffff, v1  }
0x72: {  	v2 =	vld [tilespmem:$0x10];
	_ =	sdelay $0x7  }
0x73: {  	[tilespmem:v2+s9+$0x0] =	vst.idx.add.f32.msk $0xffff, v1  }
0x74: {  	v2 =	vld [tilespmem:$0x20];
	_ =	sdelay $0x7  }
0x75: {  	[tilespmem:v2+s9+$0x0] =	vst.idx.add.f32.msk $0xffff, v1  }
0x76: {  	v2 =	vld [tilespmem:$0x30];
	_ =	sdelay $0x7  }
0x77: {  	[tilespmem:v2+s9+$0x0] =	vst.idx.add.f32.msk $0xffff, v1  }
0x78: {  	v2 =	vld [tilespmem:$0x40];
	_ =	sdelay $0x6  }
0x79: {  	s25 =	rddreg [dreg:$0xd]  }
0x7a: {  	s26 =	rddreg [dreg:$0xe];
	[tilespmem:v2+s9+$0x0] =	vst.idx.add.f32.msk $0xffff, v1  }
0x7b: {  	[tilespmem:s10], [sflag:$0x3] =	stream.linear.gather [hbm4b:s25+s18], $0x2800, $0x38;
	[tilespmem:$0x1E200] =	vst v63  }
0x7c: {  	s24 =	smov.u32 s21;
	s23 =	rddreg [dreg:$0x16];
	s25 =	smov.u32 s19  }
0x7d: {  	[tilespmem:s11], [sflag:$0x3] =	stream.linear.gather [hbm4b:s26+s18], $0x50, $0x38;
	[tilespmem:$0x1E200] =	vst v63  }
.LBB2_6:
0x7e: {  	_ =	swait.ge [sflag:s12], $0x2800  }
0x7f: {  	[sflag:s12] =	ssyncset.done $0x0  }
0x80: {  	[sflag:s12] =	ssyncadd.s32 $0xFFFFD800  }
0x81: {  	_ =	swait.ge [sflag:s12], $0x50  }
0x82: {  	[sflag:s12] =	ssyncset.done $0x0  }
0x83: {  	[sflag:s12] =	ssyncadd.s32 $0xFFFFFFB0  }
0x84: {  	[spmem:s3] =	stream.indirect.scatter.add.f32 [tilespmem:s2], [sflag:$0x5], $0x80, s6, s8, $0xb8;
	[tilespmem:$0x1E200] =	vst v63  }
0x85: {  	v2 =	vld [tilespmem:$0x80];
	_ =	sdelay $0x7  }
0x86: {  	[tilespmem:v2+s9+$0x0] =	vst.idx.add.f32.msk $0xffff, v1  }
0x87: {  	v2 =	vld [tilespmem:$0x90];
	_ =	sdelay $0x7  }
0x88: {  	[tilespmem:v2+s9+$0x0] =	vst.idx.add.f32.msk $0xffff, v1  }
0x89: {  	v2 =	vld [tilespmem:$0xA0];
	_ =	sdelay $0x7  }
0x8a: {  	[tilespmem:v2+s9+$0x0] =	vst.idx.add.f32.msk $0xffff, v1  }
0x8b: {  	v2 =	vld [tilespmem:$0xB0];
	_ =	sdelay $0x7  }
0x8c: {  	[tilespmem:v2+s9+$0x0] =	vst.idx.add.f32.msk $0xffff, v1  }
0x8d: {  	v2 =	vld [tilespmem:$0xC0];
	_ =	sdelay $0x7  }
0x8e: {  	[tilespmem:v2+s9+$0x0] =	vst.idx.add.f32.msk $0xffff, v1  }
0x8f: {  	_ =	swait.ge [sflag:s1], $0x2800  }
0x90: {  	s26 =	sadd.s32 s18, s20;
	[sflag:s1] =	ssyncset.done $0x0  }
0x91: {  	s22 =	sadd.s32 $0xF00, s26;
	[sflag:s1] =	ssyncadd.s32 $0xFFFFD800  }
0x92: {  	[tilespmem:s31], [sflag:$0x1] =	stream.linear.gather [hbm4b:s22+s4], $0x2800, $0x38;
	[tilespmem:$0x1E200] =	vst v63  }
0x93: {  	s22 =	sshrl.u32 s25, $0x3  }
0x94: {  	s22 =	sadd.s32 s0, s22  }
0x95: {  	[tilespmem:s4], [sflag:$0x1] =	stream.linear.gather [hbm4b:s22+s4], $0x50, $0x38;
	[tilespmem:$0x1E200] =	vst v63  }
0x96: {  	_ =	swait.ge [sflag:s13], $0x2800  }
0x97: {  	[sflag:s13] =	ssyncset.done $0x0  }
0x98: {  	[sflag:s13] =	ssyncadd.s32 $0xFFFFD800  }
0x99: {  	_ =	swait.ge [sflag:s13], $0x50  }
0x9a: {  	[sflag:s13] =	ssyncset.done $0x0  }
0x9b: {  	[sflag:s13] =	ssyncadd.s32 $0xFFFFFFB0  }
0x9c: {  	[spmem:s3] =	stream.indirect.scatter.add.f32 [tilespmem:s10], [sflag:$0x6], $0x80, s11, s8, $0xb8;
	[tilespmem:$0x1E200] =	vst v63  }
0x9d: {  	v2 =	vld [tilespmem:$0x100];
	_ =	sdelay $0x7  }
0x9e: {  	[tilespmem:v2+s9+$0x0] =	vst.idx.add.f32.msk $0xffff, v1  }
0x9f: {  	v2 =	vld [tilespmem:$0x110];
	_ =	sdelay $0x7  }
0xa0: {  	[tilespmem:v2+s9+$0x0] =	vst.idx.add.f32.msk $0xffff, v1  }
0xa1: {  	v2 =	vld [tilespmem:$0x120];
	_ =	sdelay $0x7  }
0xa2: {  	[tilespmem:v2+s9+$0x0] =	vst.idx.add.f32.msk $0xffff, v1  }
0xa3: {  	v2 =	vld [tilespmem:$0x130];
	_ =	sdelay $0x7  }
0xa4: {  	[tilespmem:v2+s9+$0x0] =	vst.idx.add.f32.msk $0xffff, v1  }
0xa5: {  	v2 =	vld [tilespmem:$0x140];
	_ =	sdelay $0x7  }
0xa6: {  	[tilespmem:v2+s9+$0x0] =	vst.idx.add.f32.msk $0xffff, v1  }
0xa7: {  	_ =	swait.ge [sflag:s14], $0x2800  }
0xa8: {  	[sflag:s14] =	ssyncset.done $0x0  }
0xa9: {  	s22 =	sadd.s32 $0x1400, s26;
	[sflag:s14] =	ssyncadd.s32 $0xFFFFD800  }
0xaa: {  	[tilespmem:s2], [sflag:$0x2] =	stream.linear.gather [hbm4b:s22+s4], $0x2800, $0x38;
	[tilespmem:$0x1E200] =	vst v63  }
0xab: {  	_ = 	snop  }
0xac: {  	[tilespmem:s6], [sflag:$0x2] =	stream.linear.gather [hbm4b:s24+s4], $0x50, $0x38;
	[tilespmem:$0x1E200] =	vst v63  }
0xad: {  	_ =	swait.ge [sflag:s7], $0x2800  }
0xae: {  	[sflag:s7] =	ssyncset.done $0x0  }
0xaf: {  	[sflag:s7] =	ssyncadd.s32 $0xFFFFD800  }
0xb0: {  	_ =	swait.ge [sflag:s7], $0x50  }
0xb1: {  	[sflag:s7] =	ssyncset.done $0x0  }
0xb2: {  	[sflag:s7] =	ssyncadd.s32 $0xFFFFFFB0  }
0xb3: {  	[spmem:s3] =	stream.indirect.scatter.add.f32 [tilespmem:s31], [sflag:$0x4], $0x80, s4, s8, $0xb8;
	[tilespmem:$0x1E200] =	vst v63  }
0xb4: {  	v2 =	vld [tilespmem:$0x0];
	_ =	sdelay $0x7  }
0xb5: {  	[tilespmem:v2+s9+$0x0] =	vst.idx.add.f32.msk $0xffff, v1  }
0xb6: {  	v2 =	vld [tilespmem:$0x10];
	_ =	sdelay $0x7  }
0xb7: {  	[tilespmem:v2+s9+$0x0] =	vst.idx.add.f32.msk $0xffff, v1  }
0xb8: {  	v2 =	vld [tilespmem:$0x20];
	_ =	sdelay $0x7  }
0xb9: {  	[tilespmem:v2+s9+$0x0] =	vst.idx.add.f32.msk $0xffff, v1  }
0xba: {  	v2 =	vld [tilespmem:$0x30];
	_ =	sdelay $0x7  }
0xbb: {  	[tilespmem:v2+s9+$0x0] =	vst.idx.add.f32.msk $0xffff, v1  }
0xbc: {  	v2 =	vld [tilespmem:$0x40];
	_ =	sdelay $0x7  }
0xbd: {  	[tilespmem:v2+s9+$0x0] =	vst.idx.add.f32.msk $0xffff, v1  }
0xbe: {  	_ =	swait.ge [sflag:s15], $0x2800  }
0xbf: {  	p0 =	sne.s32 s18, $0x24900;
	[sflag:s15] =	ssyncset.done $0x0  }
.Ltmp2:
0xc0: {  	s26 =	sadd.s32 $0x1900, s26;
	[sflag:s15] =	ssyncadd.s32 $0xFFFFD800;
	(pc) =	sbr.rel @p0 .LBB2_6-.Ltmp2, $4  }
0xc1: {  	[tilespmem:s10], [sflag:$0x3] =	stream.linear.gather [hbm4b:s26+s4], $0x2800, $0x38;
	[tilespmem:$0x1E200] =	vst v63  }
0xc2: {  	s18 =	sadd.s32 $0xF00, s18  }
0xc3: {  	[tilespmem:s11], [sflag:$0x3] =	stream.linear.gather [hbm4b:s23+s4], $0x50, $0x38;
	[tilespmem:$0x1E200] =	vst v63  }
0xc4: {  	s25 =	sadd.s32 $0xF0, s25;
	s24 =	sadd.s32 $0x1E, s24;
	s23 =	sadd.s32 $0x1E, s23  }
0xc5: {  	_ =	swait.ge [sflag:s12], $0x2800  }
0xc6: {  	[sflag:s12] =	ssyncset.done $0x0  }
0xc7: {  	[sflag:s12] =	ssyncadd.s32 $0xFFFFD800  }
0xc8: {  	_ =	swait.ge [sflag:s12], $0x50  }
0xc9: {  	[sflag:s12] =	ssyncset.done $0x0  }
0xca: {  	[sflag:s12] =	ssyncadd.s32 $0xFFFFFFB0  }
0xcb: {  	[spmem:s3] =	stream.indirect.scatter.add.f32 [tilespmem:s2], [sflag:$0x5], $0x80, s6, s8, $0xb8;
	[tilespmem:$0x1E200] =	vst v63  }
0xcc: {  	v2 =	vld [tilespmem:$0x80];
	_ =	sdelay $0x7  }
0xcd: {  	[tilespmem:v2+s9+$0x0] =	vst.idx.add.f32.msk $0xffff, v1  }
0xce: {  	v2 =	vld [tilespmem:$0x90];
	_ =	sdelay $0x7  }
0xcf: {  	[tilespmem:v2+s9+$0x0] =	vst.idx.add.f32.msk $0xffff, v1  }
0xd0: {  	v2 =	vld [tilespmem:$0xA0];
	_ =	sdelay $0x7  }
0xd1: {  	[tilespmem:v2+s9+$0x0] =	vst.idx.add.f32.msk $0xffff, v1  }
0xd2: {  	v2 =	vld [tilespmem:$0xB0];
	_ =	sdelay $0x7  }
0xd3: {  	[tilespmem:v2+s9+$0x0] =	vst.idx.add.f32.msk $0xffff, v1  }
0xd4: {  	v2 =	vld [tilespmem:$0xC0];
	_ =	sdelay $0x7  }
0xd5: {  	[tilespmem:v2+s9+$0x0] =	vst.idx.add.f32.msk $0xffff, v1  }
0xd6: {  	_ =	swait.ge [sflag:s1], $0x2800  }
0xd7: {  	[sflag:s1] =	ssyncset.done $0x0  }
0xd8: {  	s18 =	rddreg [dreg:$0xf];
	[sflag:s1] =	ssyncadd.s32 $0xFFFFD800  }
0xd9: {  	[tilespmem:s31], [sflag:$0x1] =	stream.linear.gather [hbm4b:s18+s4], $0x2800, $0x38;
	[tilespmem:$0x1E200] =	vst v63  }
0xda: {  	s25 =	rddreg [dreg:$0x12]  }
0xdb: {  	[tilespmem:s4], [sflag:$0x1] =	stream.linear.gather [hbm4b:s25+s4], $0x50, $0x38;
	[tilespmem:$0x1E200] =	vst v63  }
0xdc: {  	_ =	swait.ge [sflag:s13], $0x2800  }
0xdd: {  	[sflag:s13] =	ssyncset.done $0x0  }
0xde: {  	[sflag:s13] =	ssyncadd.s32 $0xFFFFD800  }
0xdf: {  	_ =	swait.ge [sflag:s13], $0x50  }
0xe0: {  	[sflag:s13] =	ssyncset.done $0x0  }
0xe1: {  	[sflag:s13] =	ssyncadd.s32 $0xFFFFFFB0  }
0xe2: {  	[spmem:s3] =	stream.indirect.scatter.add.f32 [tilespmem:s10], [sflag:$0x6], $0x80, s11, s8, $0xb8;
	[tilespmem:$0x1E200] =	vst v63  }
0xe3: {  	v2 =	vld [tilespmem:$0x100];
	_ =	sdelay $0x7  }
0xe4: {  	[tilespmem:v2+s9+$0x0] =	vst.idx.add.f32.msk $0xffff, v1  }
0xe5: {  	v2 =	vld [tilespmem:$0x110];
	_ =	sdelay $0x7  }
0xe6: {  	[tilespmem:v2+s9+$0x0] =	vst.idx.add.f32.msk $0xffff, v1  }
0xe7: {  	v2 =	vld [tilespmem:$0x120];
	_ =	sdelay $0x7  }
0xe8: {  	[tilespmem:v2+s9+$0x0] =	vst.idx.add.f32.msk $0xffff, v1  }
0xe9: {  	v2 =	vld [tilespmem:$0x130];
	_ =	sdelay $0x7  }
0xea: {  	[tilespmem:v2+s9+$0x0] =	vst.idx.add.f32.msk $0xffff, v1  }
0xeb: {  	v2 =	vld [tilespmem:$0x140];
	_ =	sdelay $0x7  }
0xec: {  	[tilespmem:v2+s9+$0x0] =	vst.idx.add.f32.msk $0xffff, v1  }
0xed: {  	_ =	swait.ge [sflag:s14], $0x2800  }
0xee: {  	[sflag:s14] =	ssyncset.done $0x0  }
0xef: {  	s26 =	rddreg [dreg:$0x10];
	[sflag:s14] =	ssyncadd.s32 $0xFFFFD800  }
0xf0: {  	[tilespmem:s2], [sflag:$0x2] =	stream.linear.gather [hbm4b:s26+s4], $0x2800, $0x38;
	[tilespmem:$0x1E200] =	vst v63  }
0xf1: {  	s22 =	rddreg [dreg:$0x13]  }
0xf2: {  	[tilespmem:s6], [sflag:$0x2] =	stream.linear.gather [hbm4b:s22+s4], $0x50, $0x38;
	[tilespmem:$0x1E200] =	vst v63  }
0xf3: {  	_ =	swait.ge [sflag:s7], $0x2800  }
0xf4: {  	[sflag:s7] =	ssyncset.done $0x0  }
0xf5: {  	[sflag:s7] =	ssyncadd.s32 $0xFFFFD800  }
0xf6: {  	_ =	swait.ge [sflag:s7], $0x50  }
0xf7: {  	[sflag:s7] =	ssyncset.done $0x0  }
0xf8: {  	[sflag:s7] =	ssyncadd.s32 $0xFFFFFFB0  }
0xf9: {  	[spmem:s3] =	stream.indirect.scatter.add.f32 [tilespmem:s31], [sflag:$0x4], $0x80, s4, s8, $0xb8;
	[tilespmem:$0x1E200] =	vst v63  }
0xfa: {  	v2 =	vld [tilespmem:$0x0];
	_ =	sdelay $0x7  }
0xfb: {  	[tilespmem:v2+s9+$0x0] =	vst.idx.add.f32.msk $0xffff, v1  }
0xfc: {  	v2 =	vld [tilespmem:$0x10];
	_ =	sdelay $0x7  }
0xfd: {  	[tilespmem:v2+s9+$0x0] =	vst.idx.add.f32.msk $0xffff, v1  }
0xfe: {  	v2 =	vld [tilespmem:$0x20];
	_ =	sdelay $0x7  }
0xff: {  	[tilespmem:v2+s9+$0x0] =	vst.idx.add.f32.msk $0xffff, v1  }
0x100: {  	v2 =	vld [tilespmem:$0x30];
	_ =	sdelay $0x7  }
0x101: {  	[tilespmem:v2+s9+$0x0] =	vst.idx.add.f32.msk $0xffff, v1  }
0x102: {  	v2 =	vld [tilespmem:$0x40];
	_ =	sdelay $0x7  }
0x103: {  	[tilespmem:v2+s9+$0x0] =	vst.idx.add.f32.msk $0xffff, v1  }
0x104: {  	_ =	swait.ge [sflag:s15], $0x2800  }
0x105: {  	[sflag:s15] =	ssyncset.done $0x0  }
0x106: {  	[sflag:s15] =	ssyncadd.s32 $0xFFFFD800  }
0x107: {  	_ =	swait.ge [sflag:s12], $0x2800  }
0x108: {  	[sflag:s12] =	ssyncset.done $0x0  }
0x109: {  	[sflag:s12] =	ssyncadd.s32 $0xFFFFD800  }
0x10a: {  	_ =	swait.ge [sflag:s12], $0x50  }
0x10b: {  	[sflag:s12] =	ssyncset.done $0x0  }
0x10c: {  	[sflag:s12] =	ssyncadd.s32 $0xFFFFFFB0  }
0x10d: {  	[spmem:s3] =	stream.indirect.scatter.add.f32 [tilespmem:s2], [sflag:$0x5], $0x80, s6, s8, $0xb8;
	[tilespmem:$0x1E200] =	vst v63  }
0x10e: {  	v2 =	vld [tilespmem:$0x80];
	_ =	sdelay $0x7  }
0x10f: {  	[tilespmem:v2+s9+$0x0] =	vst.idx.add.f32.msk $0xffff, v1  }
0x110: {  	v2 =	vld [tilespmem:$0x90];
	_ =	sdelay $0x7  }
0x111: {  	[tilespmem:v2+s9+$0x0] =	vst.idx.add.f32.msk $0xffff, v1  }
0x112: {  	v2 =	vld [tilespmem:$0xA0];
	_ =	sdelay $0x7  }
0x113: {  	[tilespmem:v2+s9+$0x0] =	vst.idx.add.f32.msk $0xffff, v1  }
0x114: {  	v2 =	vld [tilespmem:$0xB0];
	_ =	sdelay $0x7  }
0x115: {  	[tilespmem:v2+s9+$0x0] =	vst.idx.add.f32.msk $0xffff, v1  }
0x116: {  	v2 =	vld [tilespmem:$0xC0];
	_ =	sdelay $0x7  }
0x117: {  	[tilespmem:v2+s9+$0x0] =	vst.idx.add.f32.msk $0xffff, v1  }
0x118: {  	_ =	swait.ge [sflag:s1], $0x2800  }
0x119: {  	[sflag:s1] =	ssyncset.done $0x0  }
0x11a: {  	[sflag:s1] =	ssyncadd.s32 $0xFFFFD800  }
0x11b: {  	_ =	swait.ge [sflag:s14], $0x2800  }
0x11c: {  	s24 =	stileid.u32;
	[sflag:s14] =	ssyncset.done $0x0  }
0x11d: {  	s22 =	simm.s32 $0x400;
	s23 =	rddreg [dreg:$0x11];
	[sflag:s14] =	ssyncadd.s32 $0xFFFFD800  }
0x11e: {  	[hbm4b:s23+s6] =	stream.strided.scatter [tilespmem:s9], [sflag:$0x1], $0x2800, s22, s6, $0x38;
	[tilespmem:$0x1E200] =	vst v63  }
0x11f: {  	s18 =	sshll.u32 s24, $0x6;
	[bflag:$0x0] =	sbarrier.arrive $0xFFFF  }
0x120: {  	s18 =	sor.u32 $0x1C07, s18;
	s25 =	sshrl.u32 s5, $0x3;
	s23 =	rddreg [dreg:$0x14]  }
0x121: {  	[hbm:s23], [sflag:s18] =	dma.local [spmem:s25], $0x2800  }
0x122: {  	_ =	swait.ge [sflag:s16], $0x2800  }
0x123: {  	[sflag:s16] =	ssyncset.done $0x0  }
0x124: {  	[sflag:s16] =	ssyncadd.s32 $0xFFFFD800  }
0x125: {  	_ =	swait.ge [sflag:s7], $0x2800  }
0x126: {  	s17 =	sadd.s32 $0x1, s17;
	s26 =	rddreg [dreg:$0x15]  }
0x127: {  	p0 =	sne.s32 s17, s26  }
.Ltmp3:
0x128: {  	_ = 	snop;
	(pc) =	sbr.rel @p0 .LBB2_1-.Ltmp3, $3  }
0x129: {  	_ =	sdelay $0x1  }
0x12a: {  	[sflag:s7] =	ssyncset.done $0x0  }
0x12b: {  	[sflag:s7] =	ssyncadd.s32 $0xFFFFD800  }
0x12c: {  	_ =	sfence.sel $0x180000  }
0x12d: {  	[bflag:$0x0] =	sbarrier.arrive $0xFFFF  }
0x12e: {  	_ =	strace $0x90000047  }
0x12f: {  	s0 =	stileid.u32;
	[bflag:$0x2] =	sbarrier.arrive $0xFFFF  }
0x130: {  	p0 =	sne.s32 s0, $0x0;
	s0 =	rddreg [dreg:$0x5]  }
0x131: {  	s0 =	sadd.s32 @!p0 $0x100000, s0  }
0x132: {  	[sflag:s0] =	ssyncadd.tile.s32 @!p0 $0x1;
	_ =	shalt  }
.Lfunc_end2:
_tile_overlayer_lowered:
.L_overlay_start_2:
0x133: {  	(tag) =	ssettag $0x2  }
0x134: {  	s0 =	rddreg [dreg:$0x0];
	s2 =	stileid.u32  }
0x135: {  	s1 =	rddreg [dreg:$0x1];
	p0 =	sne.s32 s2, $0x0  }
0x136: {  	s3 =	rddreg [dreg:$0x2];
	[bflag:$0x3] =	sbarrier.arrive $0xFFFF;
	s2 =	simm.s32 @!p0 $0x1C07  }
0x137: {  	[timem:s3], [sflag:s2] =	dma.local @!p0 [hbm:s0], s1  }
0x138: {  	s0 =	simm.s32 @!p0 $0x7  }
0x139: {  	_ =	swait.ge @!p0 [sflag:s0], s1  }
0x13a: {  	s1 =	ssub.s32 @!p0 $0x0, s1;
	[sflag:s0] =	ssyncset.done @!p0 $0x0  }
0x13b: {  	[sflag:s0] =	ssyncadd.s32 @!p0 s1  }
0x13c: {  	[bflag:$0x3] =	sbarrier.arrive $0xFFFF  }
0x13d: {  	_ =	shalt  }

</sc_bundles>
